<compile_context>
chip_gen: v7x
topology: tpu7x:2x2x1
jax: 0.10.2.dev20260603
libtpu: 0.0.44.dev20260713+nightly
codegen_flags: <defaults>
</compile_context>

<pallas_src>
import jax
import jax.numpy as jnp
from jax import lax
from jax.experimental import pallas as pl
from jax.experimental.pallas import tpu as pltpu
from jax.experimental.pallas import tpu_sc as plsc

_VOCAB = 100000
_DIM = 64
_B = 16384
_L = 10
_NEG = 5
_T = _NEG + 1
_NC = 2
_NS = 16
_NW = _NC * _NS
_BPW = _B // _NW
_CH = 64
_NCHUNK = _BPW // _CH
_LANES = 16
_DC = _DIM // _LANES
_YROWS = _T * _B
_Y2COLS = 256
_Y2ROWS = _YROWS * _LANES // _Y2COLS
_BROWS = _B * _LANES // _Y2COLS


def _cbow_sc_body(ctx_hbm, word_hbm, neg_hbm, emb0_hbm, emb1_hbm, y_hbm,
                  ctx_idx, neg_idx, word_st, ctx_rows, word_rows, neg_rows,
                  y_v, sem_g):
    wid = lax.axis_index("s") * _NC + lax.axis_index("c")
    base = wid * _BPW

    pltpu.sync_copy(
        ctx_hbm.at[pl.ds(pl.multiple_of(base * _L, 8), _BPW * _L)], ctx_idx)
    pltpu.sync_copy(
        neg_hbm.at[pl.ds(pl.multiple_of(base * _NEG, 8), _BPW * _NEG)],
        neg_idx)
    pltpu.sync_copy(word_hbm.at[pl.ds(pl.multiple_of(base, 8), _BPW)],
                    word_st)

    def chunk_body(c, carry):
        cb = base + c * _CH
        handles = []
        for j in range(_CH * _L // 128):
            handles.append(pltpu.async_copy(
                emb0_hbm.at[ctx_idx.at[pl.ds(c * _CH * _L + j * 128, 128)]],
                ctx_rows.at[pl.ds(j * 128, 128)], sem_g))
        handles.append(pltpu.async_copy(
            emb1_hbm.at[word_st.at[pl.ds(c * _CH, _CH)]], word_rows, sem_g))
        for j in range(_CH * _NEG // 64):
            handles.append(pltpu.async_copy(
                emb1_hbm.at[neg_idx.at[pl.ds(c * _CH * _NEG + j * 64, 64)]],
                neg_rows.at[pl.ds(j * 64, 64)], sem_g))
        for h in handles:
            h.wait()

        def elem(e, carry2):
            csum = []
            for k in range(_DC):
                s = ctx_rows[e * _L, pl.ds(k * _LANES, _LANES)]
                for j in range(1, _L):
                    s = s + ctx_rows[e * _L + j, pl.ds(k * _LANES, _LANES)]
                csum.append(s)
            v = csum[0] * word_rows[e, pl.ds(0, _LANES)]
            for k in range(1, _DC):
                v = v + csum[k] * word_rows[e, pl.ds(k * _LANES, _LANES)]
            y_v[0, e, pl.ds(0, _LANES)] = v
            for r in range(_NEG):
                v = csum[0] * neg_rows[e * _NEG + r, pl.ds(0, _LANES)]
                for k in range(1, _DC):
                    v = v + csum[k] * neg_rows[e * _NEG + r,
                                               pl.ds(k * _LANES, _LANES)]
                y_v[1 + r, e, pl.ds(0, _LANES)] = v
            return carry2

        lax.fori_loop(0, _CH, elem, 0)
        for r in range(_T):
            pltpu.sync_copy(
                y_v.at[r],
                y_hbm.at[pl.ds(pl.multiple_of(r * _B + cb, 8), _CH)])
        return carry

    lax.fori_loop(0, _NCHUNK, chunk_body, 0)


def _loss_tc_body(y2_ref, lens_ref, o_ref):
    y2 = y2_ref[...]
    seg = (lax.broadcasted_iota(jnp.int32, (_Y2COLS, _LANES), 0) // _LANES
           == lax.broadcasted_iota(jnp.int32, (_Y2COLS, _LANES), 1))
    x = jnp.dot(y2, seg.astype(jnp.float32),
                preferred_element_type=jnp.float32)
    x3 = x.reshape(_T, _BROWS, _LANES) / lens_ref[...][None, :, :]
    sgn = jnp.where(
        lax.broadcasted_iota(jnp.int32, (_T, _BROWS, _LANES), 0) == 0,
        1.0, -1.0)
    terms = -jax.nn.log_sigmoid(sgn * jnp.clip(x3, -10.0, 10.0))
    o_ref[...] = jnp.sum(terms)[None, None]


@jax.jit
def _cbow(ctx_flat, word_idx, neg_flat, lens2, emb0_weight, emb1_weight):
    mesh = plsc.VectorSubcoreMesh(core_axis_name="c", subcore_axis_name="s")
    y = pl.kernel(
        _cbow_sc_body,
        mesh=mesh,
        compiler_params=pltpu.CompilerParams(use_tc_tiling_on_sc=False),
        out_type=jax.ShapeDtypeStruct((_YROWS, _LANES), jnp.float32),
        scratch_types=[
            pltpu.VMEM((_BPW * _L,), jnp.int32),
            pltpu.VMEM((_BPW * _NEG,), jnp.int32),
            pltpu.VMEM((_BPW,), jnp.int32),
            pltpu.VMEM((_CH * _L, _DIM), jnp.float32),
            pltpu.VMEM((_CH, _DIM), jnp.float32),
            pltpu.VMEM((_CH * _NEG, _DIM), jnp.float32),
            pltpu.VMEM((_T, _CH, _LANES), jnp.float32),
            pltpu.SemaphoreType.DMA,
        ],
    )(ctx_flat, word_idx, neg_flat, emb0_weight, emb1_weight)
    o = pl.pallas_call(
        _loss_tc_body,
        out_shape=jax.ShapeDtypeStruct((1, 1), jnp.float32),
    )(y.reshape(_Y2ROWS, _Y2COLS), lens2)
    return o[0, 0]


def kernel(word_idx, ctx_inds, ctx_lens, neg_inds, emb0_weight, emb1_weight):
    lens2 = ctx_lens.astype(jnp.float32).reshape(_BROWS, _LANES)
    return _cbow(ctx_inds.astype(jnp.int32).reshape(-1),
                 word_idx.astype(jnp.int32),
                 neg_inds.astype(jnp.int32).reshape(-1), lens2,
                 emb0_weight, emb1_weight)

# --- scband reference (transcript-rebuilt; emitter-appended) ---
"""Pipeline reference for scband-cbow-17274358464869 (READ-ONLY COPY).

The authoritative reference and input builder live on the scoring server;
editing this copy changes nothing except your own understanding.
"""

import jax, jax.numpy as jnp
import numpy as np

VOCAB = 100000
DIM = 64
B = 16384
L = 10
NEG = 5

def setup_inputs(seed: int = 0) -> dict:
    key = jax.random.key(seed)
    k1, k2, k3, k4, k5 = jax.random.split(key, 5)
    word_idx = jax.random.randint(k1, (B,), 0, VOCAB)
    ctx_inds = jax.random.randint(k2, (B, L), 0, VOCAB)
    ctx_lens = jnp.ones((B,), dtype=jnp.float32)
    neg_inds = jax.random.randint(k3, (B, NEG), 0, VOCAB)
    emb0_weight = jax.random.uniform(k4, (VOCAB + 1, DIM), jnp.float32, -0.5 / DIM, 0.5 / DIM)
    emb0_weight = emb0_weight.at[VOCAB].set(0.0)  # padding row
    emb1_weight = jax.random.uniform(k5, (VOCAB, DIM), jnp.float32, -0.5 / DIM, 0.5 / DIM)
    return {
        "word_idx": word_idx,
        "ctx_inds": ctx_inds,
        "ctx_lens": ctx_lens,
        "neg_inds": neg_inds,
        "emb0_weight": emb0_weight,
        "emb1_weight": emb1_weight,
    }

def reference(word_idx, ctx_inds, ctx_lens, neg_inds, emb0_weight, emb1_weight):
    # embedding lookups (gather)
    w_embs = jnp.take(emb1_weight, word_idx, axis=0)      # [B, D]
    c_embs = jnp.take(emb0_weight, ctx_inds, axis=0)      # [B, L, D]
    n_embs = jnp.take(emb1_weight, neg_inds, axis=0)      # [B, NEG, D]
    # CBOWMean.forward: sum over context dim, divide by lens (broadcast over batch)
    c_mean = jnp.sum(c_embs, axis=1, keepdims=True) / ctx_lens[:, None, None]  # [B, 1, D]
    pos_ips = jnp.sum(c_mean[:, 0, :] * w_embs, axis=1)   # [B]
    neg_ips = jnp.einsum('bnd,bd->bn', n_embs, c_mean[:, 0, :])  # [B, NEG] == bmm(n_embs, c_mean^T)[:, :, 0]
    pos_loss = jnp.sum(-jax.nn.log_sigmoid(jnp.clip(pos_ips, -10.0, 10.0)))
    neg_loss = jnp.sum(-jax.nn.log_sigmoid(jnp.clip(-neg_ips, -10.0, 10.0)))
    return pos_loss + neg_loss

if __name__ == "__main__":
    import jax
    _d = setup_inputs()
    print(jax.jit(kernel)(*tuple(_d.values())))

</pallas_src>

<mosaic_0001>
#map = affine_map<(d0, d1) -> (0)>
#map1 = affine_map<(d0, d1) -> (0, 0)>
module attributes {stable_mosaic.version = 14 : i64} {
  func.func @_cbow_sc_body(%arg0: i32, %arg1: i32, %arg2: memref<163840xi32, #tpu.memory_space<hbm>>, %arg3: memref<16384xi32, #tpu.memory_space<hbm>>, %arg4: memref<81920xi32, #tpu.memory_space<hbm>>, %arg5: memref<100001x64xf32, #tpu.memory_space<hbm>>, %arg6: memref<100000x64xf32, #tpu.memory_space<hbm>>, %arg7: memref<98304x16xf32, #tpu.memory_space<hbm>>, %arg8: memref<5120xi32, #tpu.memory_space<vmem>>, %arg9: memref<2560xi32, #tpu.memory_space<vmem>>, %arg10: memref<512xi32, #tpu.memory_space<vmem>>, %arg11: memref<640x64xf32, #tpu.memory_space<vmem>>, %arg12: memref<64x64xf32, #tpu.memory_space<vmem>>, %arg13: memref<320x64xf32, #tpu.memory_space<vmem>>, %arg14: memref<6x64x16xf32, #tpu.memory_space<vmem>>, %arg15: memref<!tpu.dma_semaphore, #tpu.memory_space<semaphore_mem>>) attributes {dimension_semantics = [#tpu.dimension_semantics<core_parallel>, #tpu.dimension_semantics<subcore_parallel>], iteration_bounds = array<i64: 2, 16>, scalar_prefetch = 0 : i64, scratch_operands = 8 : i64, tpu.core_type = #tpu.core_type<sc_vector_subcore>, window_params = [{transform_indices = #map}, {transform_indices = #map}, {transform_indices = #map}, {transform_indices = #map1}, {transform_indices = #map1}, {transform_indices = #map1}]} {
    %mul3A = arith.constant 2 : i32
    %mul3A_0 = arith.muli %arg1, %mul3A : i32
    %add3A = arith.addi %mul3A_0, %arg0 : i32
    %mul3A_1 = arith.constant 512 : i32
    %mul3A_2 = arith.muli %add3A, %mul3A_1 : i32
    %mul3A_3 = arith.constant 10 : i32
    %mul3A_4 = arith.muli %mul3A_2, %mul3A_3 : i32
    %multiple_of3A = tpu.assume_multiple %mul3A_4, 8 : i32
    "tpu.region"() ({
      %run_scoped3A = tpu.sem_alloc : memref<!tpu.dma_semaphore, #tpu.memory_space<semaphore_mem>>
      %dma_start3A = tpu.memref_slice %arg2[%multiple_of3A] : memref<163840xi32, #tpu.memory_space<hbm>> -> memref<5120xi32, #tpu.memory_space<hbm>>
      %dma_start3A_14 = tpu.memref_slice %arg2[%multiple_of3A] : memref<163840xi32, #tpu.memory_space<hbm>> -> memref<5120xi32, #tpu.memory_space<hbm>>
      tpu.enqueue_dma source(%dma_start3A_14 : memref<5120xi32, #tpu.memory_space<hbm>>) target(%arg8 : memref<5120xi32, #tpu.memory_space<vmem>>) target_semaphore(%run_scoped3A : memref<!tpu.dma_semaphore, #tpu.memory_space<semaphore_mem>>)
      %dma_wait3A = tpu.memref_slice %arg2[%multiple_of3A] : memref<163840xi32, #tpu.memory_space<hbm>> -> memref<5120xi32, #tpu.memory_space<hbm>>
      %dma_wait3A_15 = tpu.memref_slice %arg2[%multiple_of3A] : memref<163840xi32, #tpu.memory_space<hbm>> -> memref<5120xi32, #tpu.memory_space<hbm>>
      tpu.wait_dma2 semaphore(%run_scoped3A : memref<!tpu.dma_semaphore, #tpu.memory_space<semaphore_mem>>) src(%dma_wait3A_15 : memref<5120xi32, #tpu.memory_space<hbm>>) dst(%arg8 : memref<5120xi32, #tpu.memory_space<vmem>>)
      tpu.yield
    }) : () -> ()
    %mul3A_5 = arith.constant 5 : i32
    %mul3A_6 = arith.muli %mul3A_2, %mul3A_5 : i32
    %multiple_of3A_7 = tpu.assume_multiple %mul3A_6, 8 : i32
    "tpu.region"() ({
      %run_scoped3A = tpu.sem_alloc : memref<!tpu.dma_semaphore, #tpu.memory_space<semaphore_mem>>
      %dma_start3A = tpu.memref_slice %arg4[%multiple_of3A_7] : memref<81920xi32, #tpu.memory_space<hbm>> -> memref<2560xi32, #tpu.memory_space<hbm>>
      %dma_start3A_14 = tpu.memref_slice %arg4[%multiple_of3A_7] : memref<81920xi32, #tpu.memory_space<hbm>> -> memref<2560xi32, #tpu.memory_space<hbm>>
      tpu.enqueue_dma source(%dma_start3A_14 : memref<2560xi32, #tpu.memory_space<hbm>>) target(%arg9 : memref<2560xi32, #tpu.memory_space<vmem>>) target_semaphore(%run_scoped3A : memref<!tpu.dma_semaphore, #tpu.memory_space<semaphore_mem>>)
      %dma_wait3A = tpu.memref_slice %arg4[%multiple_of3A_7] : memref<81920xi32, #tpu.memory_space<hbm>> -> memref<2560xi32, #tpu.memory_space<hbm>>
      %dma_wait3A_15 = tpu.memref_slice %arg4[%multiple_of3A_7] : memref<81920xi32, #tpu.memory_space<hbm>> -> memref<2560xi32, #tpu.memory_space<hbm>>
      tpu.wait_dma2 semaphore(%run_scoped3A : memref<!tpu.dma_semaphore, #tpu.memory_space<semaphore_mem>>) src(%dma_wait3A_15 : memref<2560xi32, #tpu.memory_space<hbm>>) dst(%arg9 : memref<2560xi32, #tpu.memory_space<vmem>>)
      tpu.yield
    }) : () -> ()
    %multiple_of3A_8 = tpu.assume_multiple %mul3A_2, 8 : i32
    "tpu.region"() ({
      %run_scoped3A = tpu.sem_alloc : memref<!tpu.dma_semaphore, #tpu.memory_space<semaphore_mem>>
      %dma_start3A = tpu.memref_slice %arg3[%multiple_of3A_8] : memref<16384xi32, #tpu.memory_space<hbm>> -> memref<512xi32, #tpu.memory_space<hbm>>
      %dma_start3A_14 = tpu.memref_slice %arg3[%multiple_of3A_8] : memref<16384xi32, #tpu.memory_space<hbm>> -> memref<512xi32, #tpu.memory_space<hbm>>
      tpu.enqueue_dma source(%dma_start3A_14 : memref<512xi32, #tpu.memory_space<hbm>>) target(%arg10 : memref<512xi32, #tpu.memory_space<vmem>>) target_semaphore(%run_scoped3A : memref<!tpu.dma_semaphore, #tpu.memory_space<semaphore_mem>>)
      %dma_wait3A = tpu.memref_slice %arg3[%multiple_of3A_8] : memref<16384xi32, #tpu.memory_space<hbm>> -> memref<512xi32, #tpu.memory_space<hbm>>
      %dma_wait3A_15 = tpu.memref_slice %arg3[%multiple_of3A_8] : memref<16384xi32, #tpu.memory_space<hbm>> -> memref<512xi32, #tpu.memory_space<hbm>>
      tpu.wait_dma2 semaphore(%run_scoped3A : memref<!tpu.dma_semaphore, #tpu.memory_space<semaphore_mem>>) src(%dma_wait3A_15 : memref<512xi32, #tpu.memory_space<hbm>>) dst(%arg10 : memref<512xi32, #tpu.memory_space<vmem>>)
      tpu.yield
    }) : () -> ()
    %scan3A = arith.constant 0 : i32
    %scan3A_9 = arith.constant 0 : i32
    %scan3A_10 = arith.constant 8 : i32
    %scan3A_11 = arith.addi %scan3A_9, %scan3A_10 : i32
    %scan3A_12 = arith.constant 1 : i32
    scf.for %scan3A_14 = %scan3A_9 to %scan3A_11 step %scan3A_12  : i32 {
      %mul3A_15 = arith.constant 64 : i32
      %mul3A_16 = arith.muli %scan3A_14, %mul3A_15 : i32
      %add3A_17 = arith.addi %mul3A_2, %mul3A_16 : i32
      %mul3A_18 = arith.constant 64 : i32
      %mul3A_19 = arith.muli %scan3A_14, %mul3A_18 : i32
      %mul3A_20 = arith.constant 10 : i32
      %mul3A_21 = arith.muli %mul3A_19, %mul3A_20 : i32
      %add3A_22 = arith.constant 0 : i32
      %add3A_23 = arith.addi %mul3A_21, %add3A_22 : i32
      %dma_start3A = arith.constant 0 : i32
      %dma_start3A_24 = arith.constant 0 : i32
      %dma_start3A_25 = tpu.memref_slice %arg11[%dma_start3A, %dma_start3A_24] : memref<640x64xf32, #tpu.memory_space<vmem>> -> memref<128x64xf32, #tpu.memory_space<vmem>>
      %dma_start3A_26 = tpu.memref_slice %arg8[%add3A_23] : memref<5120xi32, #tpu.memory_space<vmem>> -> memref<128xi32, #tpu.memory_space<vmem>>
      %dma_start3A_27 = arith.constant 0 : i32
      %dma_start3A_28 = arith.constant 0 : i32
      %dma_start3A_29 = tpu.memref_slice %arg5[%dma_start3A_27, %dma_start3A_28] : memref<100001x64xf32, #tpu.memory_space<hbm>> -> memref<100001x64xf32, #tpu.memory_space<hbm>>
      tpu.enqueue_indirect_dma source(%dma_start3A_29 : memref<100001x64xf32, #tpu.memory_space<hbm>>) target(%dma_start3A_25 : memref<128x64xf32, #tpu.memory_space<vmem>>) offsets(%dma_start3A_26 : memref<128xi32, #tpu.memory_space<vmem>>) semaphore(%arg15 : memref<!tpu.dma_semaphore, #tpu.memory_space<semaphore_mem>>)
      %mul3A_30 = arith.constant 64 : i32
      %mul3A_31 = arith.muli %scan3A_14, %mul3A_30 : i32
      %mul3A_32 = arith.constant 10 : i32
      %mul3A_33 = arith.muli %mul3A_31, %mul3A_32 : i32
      %add3A_34 = arith.constant 128 : i32
      %add3A_35 = arith.addi %mul3A_33, %add3A_34 : i32
      %dma_start3A_36 = arith.constant 128 : i32
      %dma_start3A_37 = arith.constant 0 : i32
      %dma_start3A_38 = tpu.memref_slice %arg11[%dma_start3A_36, %dma_start3A_37] : memref<640x64xf32, #tpu.memory_space<vmem>> -> memref<128x64xf32, #tpu.memory_space<vmem>>
      %dma_start3A_39 = tpu.memref_slice %arg8[%add3A_35] : memref<5120xi32, #tpu.memory_space<vmem>> -> memref<128xi32, #tpu.memory_space<vmem>>
      %dma_start3A_40 = arith.constant 0 : i32
      %dma_start3A_41 = arith.constant 0 : i32
      %dma_start3A_42 = tpu.memref_slice %arg5[%dma_start3A_40, %dma_start3A_41] : memref<100001x64xf32, #tpu.memory_space<hbm>> -> memref<100001x64xf32, #tpu.memory_space<hbm>>
      tpu.enqueue_indirect_dma source(%dma_start3A_42 : memref<100001x64xf32, #tpu.memory_space<hbm>>) target(%dma_start3A_38 : memref<128x64xf32, #tpu.memory_space<vmem>>) offsets(%dma_start3A_39 : memref<128xi32, #tpu.memory_space<vmem>>) semaphore(%arg15 : memref<!tpu.dma_semaphore, #tpu.memory_space<semaphore_mem>>)
      %mul3A_43 = arith.constant 64 : i32
      %mul3A_44 = arith.muli %scan3A_14, %mul3A_43 : i32
      %mul3A_45 = arith.constant 10 : i32
      %mul3A_46 = arith.muli %mul3A_44, %mul3A_45 : i32
      %add3A_47 = arith.constant 256 : i32
      %add3A_48 = arith.addi %mul3A_46, %add3A_47 : i32
      %dma_start3A_49 = arith.constant 256 : i32
      %dma_start3A_50 = arith.constant 0 : i32
      %dma_start3A_51 = tpu.memref_slice %arg11[%dma_start3A_49, %dma_start3A_50] : memref<640x64xf32, #tpu.memory_space<vmem>> -> memref<128x64xf32, #tpu.memory_space<vmem>>
      %dma_start3A_52 = tpu.memref_slice %arg8[%add3A_48] : memref<5120xi32, #tpu.memory_space<vmem>> -> memref<128xi32, #tpu.memory_space<vmem>>
      %dma_start3A_53 = arith.constant 0 : i32
      %dma_start3A_54 = arith.constant 0 : i32
      %dma_start3A_55 = tpu.memref_slice %arg5[%dma_start3A_53, %dma_start3A_54] : memref<100001x64xf32, #tpu.memory_space<hbm>> -> memref<100001x64xf32, #tpu.memory_space<hbm>>
      tpu.enqueue_indirect_dma source(%dma_start3A_55 : memref<100001x64xf32, #tpu.memory_space<hbm>>) target(%dma_start3A_51 : memref<128x64xf32, #tpu.memory_space<vmem>>) offsets(%dma_start3A_52 : memref<128xi32, #tpu.memory_space<vmem>>) semaphore(%arg15 : memref<!tpu.dma_semaphore, #tpu.memory_space<semaphore_mem>>)
      %mul3A_56 = arith.constant 64 : i32
      %mul3A_57 = arith.muli %scan3A_14, %mul3A_56 : i32
      %mul3A_58 = arith.constant 10 : i32
      %mul3A_59 = arith.muli %mul3A_57, %mul3A_58 : i32
      %add3A_60 = arith.constant 384 : i32
      %add3A_61 = arith.addi %mul3A_59, %add3A_60 : i32
      %dma_start3A_62 = arith.constant 384 : i32
      %dma_start3A_63 = arith.constant 0 : i32
      %dma_start3A_64 = tpu.memref_slice %arg11[%dma_start3A_62, %dma_start3A_63] : memref<640x64xf32, #tpu.memory_space<vmem>> -> memref<128x64xf32, #tpu.memory_space<vmem>>
      %dma_start3A_65 = tpu.memref_slice %arg8[%add3A_61] : memref<5120xi32, #tpu.memory_space<vmem>> -> memref<128xi32, #tpu.memory_space<vmem>>
      %dma_start3A_66 = arith.constant 0 : i32
      %dma_start3A_67 = arith.constant 0 : i32
      %dma_start3A_68 = tpu.memref_slice %arg5[%dma_start3A_66, %dma_start3A_67] : memref<100001x64xf32, #tpu.memory_space<hbm>> -> memref<100001x64xf32, #tpu.memory_space<hbm>>
      tpu.enqueue_indirect_dma source(%dma_start3A_68 : memref<100001x64xf32, #tpu.memory_space<hbm>>) target(%dma_start3A_64 : memref<128x64xf32, #tpu.memory_space<vmem>>) offsets(%dma_start3A_65 : memref<128xi32, #tpu.memory_space<vmem>>) semaphore(%arg15 : memref<!tpu.dma_semaphore, #tpu.memory_space<semaphore_mem>>)
      %mul3A_69 = arith.constant 64 : i32
      %mul3A_70 = arith.muli %scan3A_14, %mul3A_69 : i32
      %mul3A_71 = arith.constant 10 : i32
      %mul3A_72 = arith.muli %mul3A_70, %mul3A_71 : i32
      %add3A_73 = arith.constant 512 : i32
      %add3A_74 = arith.addi %mul3A_72, %add3A_73 : i32
      %dma_start3A_75 = arith.constant 512 : i32
      %dma_start3A_76 = arith.constant 0 : i32
      %dma_start3A_77 = tpu.memref_slice %arg11[%dma_start3A_75, %dma_start3A_76] : memref<640x64xf32, #tpu.memory_space<vmem>> -> memref<128x64xf32, #tpu.memory_space<vmem>>
      %dma_start3A_78 = tpu.memref_slice %arg8[%add3A_74] : memref<5120xi32, #tpu.memory_space<vmem>> -> memref<128xi32, #tpu.memory_space<vmem>>
      %dma_start3A_79 = arith.constant 0 : i32
      %dma_start3A_80 = arith.constant 0 : i32
      %dma_start3A_81 = tpu.memref_slice %arg5[%dma_start3A_79, %dma_start3A_80] : memref<100001x64xf32, #tpu.memory_space<hbm>> -> memref<100001x64xf32, #tpu.memory_space<hbm>>
      tpu.enqueue_indirect_dma source(%dma_start3A_81 : memref<100001x64xf32, #tpu.memory_space<hbm>>) target(%dma_start3A_77 : memref<128x64xf32, #tpu.memory_space<vmem>>) offsets(%dma_start3A_78 : memref<128xi32, #tpu.memory_space<vmem>>) semaphore(%arg15 : memref<!tpu.dma_semaphore, #tpu.memory_space<semaphore_mem>>)
      %mul3A_82 = arith.constant 64 : i32
      %mul3A_83 = arith.muli %scan3A_14, %mul3A_82 : i32
      %dma_start3A_84 = tpu.memref_slice %arg10[%mul3A_83] : memref<512xi32, #tpu.memory_space<vmem>> -> memref<64xi32, #tpu.memory_space<vmem>>
      %dma_start3A_85 = arith.constant 0 : i32
      %dma_start3A_86 = arith.constant 0 : i32
      %dma_start3A_87 = tpu.memref_slice %arg6[%dma_start3A_85, %dma_start3A_86] : memref<100000x64xf32, #tpu.memory_space<hbm>> -> memref<100000x64xf32, #tpu.memory_space<hbm>>
      tpu.enqueue_indirect_dma source(%dma_start3A_87 : memref<100000x64xf32, #tpu.memory_space<hbm>>) target(%arg12 : memref<64x64xf32, #tpu.memory_space<vmem>>) offsets(%dma_start3A_84 : memref<64xi32, #tpu.memory_space<vmem>>) semaphore(%arg15 : memref<!tpu.dma_semaphore, #tpu.memory_space<semaphore_mem>>)
      %mul3A_88 = arith.constant 64 : i32
      %mul3A_89 = arith.muli %scan3A_14, %mul3A_88 : i32
      %mul3A_90 = arith.constant 5 : i32
      %mul3A_91 = arith.muli %mul3A_89, %mul3A_90 : i32
      %add3A_92 = arith.constant 0 : i32
      %add3A_93 = arith.addi %mul3A_91, %add3A_92 : i32
      %dma_start3A_94 = arith.constant 0 : i32
      %dma_start3A_95 = arith.constant 0 : i32
      %dma_start3A_96 = tpu.memref_slice %arg13[%dma_start3A_94, %dma_start3A_95] : memref<320x64xf32, #tpu.memory_space<vmem>> -> memref<64x64xf32, #tpu.memory_space<vmem>>
      %dma_start3A_97 = tpu.memref_slice %arg9[%add3A_93] : memref<2560xi32, #tpu.memory_space<vmem>> -> memref<64xi32, #tpu.memory_space<vmem>>
      %dma_start3A_98 = arith.constant 0 : i32
      %dma_start3A_99 = arith.constant 0 : i32
      %dma_start3A_100 = tpu.memref_slice %arg6[%dma_start3A_98, %dma_start3A_99] : memref<100000x64xf32, #tpu.memory_space<hbm>> -> memref<100000x64xf32, #tpu.memory_space<hbm>>
      tpu.enqueue_indirect_dma source(%dma_start3A_100 : memref<100000x64xf32, #tpu.memory_space<hbm>>) target(%dma_start3A_96 : memref<64x64xf32, #tpu.memory_space<vmem>>) offsets(%dma_start3A_97 : memref<64xi32, #tpu.memory_space<vmem>>) semaphore(%arg15 : memref<!tpu.dma_semaphore, #tpu.memory_space<semaphore_mem>>)
      %mul3A_101 = arith.constant 64 : i32
      %mul3A_102 = arith.muli %scan3A_14, %mul3A_101 : i32
      %mul3A_103 = arith.constant 5 : i32
      %mul3A_104 = arith.muli %mul3A_102, %mul3A_103 : i32
      %add3A_105 = arith.constant 64 : i32
      %add3A_106 = arith.addi %mul3A_104, %add3A_105 : i32
      %dma_start3A_107 = arith.constant 64 : i32
      %dma_start3A_108 = arith.constant 0 : i32
      %dma_start3A_109 = tpu.memref_slice %arg13[%dma_start3A_107, %dma_start3A_108] : memref<320x64xf32, #tpu.memory_space<vmem>> -> memref<64x64xf32, #tpu.memory_space<vmem>>
      %dma_start3A_110 = tpu.memref_slice %arg9[%add3A_106] : memref<2560xi32, #tpu.memory_space<vmem>> -> memref<64xi32, #tpu.memory_space<vmem>>
      %dma_start3A_111 = arith.constant 0 : i32
      %dma_start3A_112 = arith.constant 0 : i32
      %dma_start3A_113 = tpu.memref_slice %arg6[%dma_start3A_111, %dma_start3A_112] : memref<100000x64xf32, #tpu.memory_space<hbm>> -> memref<100000x64xf32, #tpu.memory_space<hbm>>
      tpu.enqueue_indirect_dma source(%dma_start3A_113 : memref<100000x64xf32, #tpu.memory_space<hbm>>) target(%dma_start3A_109 : memref<64x64xf32, #tpu.memory_space<vmem>>) offsets(%dma_start3A_110 : memref<64xi32, #tpu.memory_space<vmem>>) semaphore(%arg15 : memref<!tpu.dma_semaphore, #tpu.memory_space<semaphore_mem>>)
      %mul3A_114 = arith.constant 64 : i32
      %mul3A_115 = arith.muli %scan3A_14, %mul3A_114 : i32
      %mul3A_116 = arith.constant 5 : i32
      %mul3A_117 = arith.muli %mul3A_115, %mul3A_116 : i32
      %add3A_118 = arith.constant 128 : i32
      %add3A_119 = arith.addi %mul3A_117, %add3A_118 : i32
      %dma_start3A_120 = arith.constant 128 : i32
      %dma_start3A_121 = arith.constant 0 : i32
      %dma_start3A_122 = tpu.memref_slice %arg13[%dma_start3A_120, %dma_start3A_121] : memref<320x64xf32, #tpu.memory_space<vmem>> -> memref<64x64xf32, #tpu.memory_space<vmem>>
      %dma_start3A_123 = tpu.memref_slice %arg9[%add3A_119] : memref<2560xi32, #tpu.memory_space<vmem>> -> memref<64xi32, #tpu.memory_space<vmem>>
      %dma_start3A_124 = arith.constant 0 : i32
      %dma_start3A_125 = arith.constant 0 : i32
      %dma_start3A_126 = tpu.memref_slice %arg6[%dma_start3A_124, %dma_start3A_125] : memref<100000x64xf32, #tpu.memory_space<hbm>> -> memref<100000x64xf32, #tpu.memory_space<hbm>>
      tpu.enqueue_indirect_dma source(%dma_start3A_126 : memref<100000x64xf32, #tpu.memory_space<hbm>>) target(%dma_start3A_122 : memref<64x64xf32, #tpu.memory_space<vmem>>) offsets(%dma_start3A_123 : memref<64xi32, #tpu.memory_space<vmem>>) semaphore(%arg15 : memref<!tpu.dma_semaphore, #tpu.memory_space<semaphore_mem>>)
      %mul3A_127 = arith.constant 64 : i32
      %mul3A_128 = arith.muli %scan3A_14, %mul3A_127 : i32
      %mul3A_129 = arith.constant 5 : i32
      %mul3A_130 = arith.muli %mul3A_128, %mul3A_129 : i32
      %add3A_131 = arith.constant 192 : i32
      %add3A_132 = arith.addi %mul3A_130, %add3A_131 : i32
      %dma_start3A_133 = arith.constant 192 : i32
      %dma_start3A_134 = arith.constant 0 : i32
      %dma_start3A_135 = tpu.memref_slice %arg13[%dma_start3A_133, %dma_start3A_134] : memref<320x64xf32, #tpu.memory_space<vmem>> -> memref<64x64xf32, #tpu.memory_space<vmem>>
      %dma_start3A_136 = tpu.memref_slice %arg9[%add3A_132] : memref<2560xi32, #tpu.memory_space<vmem>> -> memref<64xi32, #tpu.memory_space<vmem>>
      %dma_start3A_137 = arith.constant 0 : i32
      %dma_start3A_138 = arith.constant 0 : i32
      %dma_start3A_139 = tpu.memref_slice %arg6[%dma_start3A_137, %dma_start3A_138] : memref<100000x64xf32, #tpu.memory_space<hbm>> -> memref<100000x64xf32, #tpu.memory_space<hbm>>
      tpu.enqueue_indirect_dma source(%dma_start3A_139 : memref<100000x64xf32, #tpu.memory_space<hbm>>) target(%dma_start3A_135 : memref<64x64xf32, #tpu.memory_space<vmem>>) offsets(%dma_start3A_136 : memref<64xi32, #tpu.memory_space<vmem>>) semaphore(%arg15 : memref<!tpu.dma_semaphore, #tpu.memory_space<semaphore_mem>>)
      %mul3A_140 = arith.constant 64 : i32
      %mul3A_141 = arith.muli %scan3A_14, %mul3A_140 : i32
      %mul3A_142 = arith.constant 5 : i32
      %mul3A_143 = arith.muli %mul3A_141, %mul3A_142 : i32
      %add3A_144 = arith.constant 256 : i32
      %add3A_145 = arith.addi %mul3A_143, %add3A_144 : i32
      %dma_start3A_146 = arith.constant 256 : i32
      %dma_start3A_147 = arith.constant 0 : i32
      %dma_start3A_148 = tpu.memref_slice %arg13[%dma_start3A_146, %dma_start3A_147] : memref<320x64xf32, #tpu.memory_space<vmem>> -> memref<64x64xf32, #tpu.memory_space<vmem>>
      %dma_start3A_149 = tpu.memref_slice %arg9[%add3A_145] : memref<2560xi32, #tpu.memory_space<vmem>> -> memref<64xi32, #tpu.memory_space<vmem>>
      %dma_start3A_150 = arith.constant 0 : i32
      %dma_start3A_151 = arith.constant 0 : i32
      %dma_start3A_152 = tpu.memref_slice %arg6[%dma_start3A_150, %dma_start3A_151] : memref<100000x64xf32, #tpu.memory_space<hbm>> -> memref<100000x64xf32, #tpu.memory_space<hbm>>
      tpu.enqueue_indirect_dma source(%dma_start3A_152 : memref<100000x64xf32, #tpu.memory_space<hbm>>) target(%dma_start3A_148 : memref<64x64xf32, #tpu.memory_space<vmem>>) offsets(%dma_start3A_149 : memref<64xi32, #tpu.memory_space<vmem>>) semaphore(%arg15 : memref<!tpu.dma_semaphore, #tpu.memory_space<semaphore_mem>>)
      %dma_wait3A = arith.constant 0 : i32
      %dma_wait3A_153 = arith.constant 0 : i32
      %dma_wait3A_154 = tpu.memref_slice %arg11[%dma_wait3A, %dma_wait3A_153] : memref<640x64xf32, #tpu.memory_space<vmem>> -> memref<128x64xf32, #tpu.memory_space<vmem>>
      %dma_wait3A_155 = tpu.memref_slice %arg8[%add3A_23] : memref<5120xi32, #tpu.memory_space<vmem>> -> memref<128xi32, #tpu.memory_space<vmem>>
      %dma_wait3A_156 = arith.constant 0 : i32
      %dma_wait3A_157 = arith.constant 0 : i32
      %dma_wait3A_158 = tpu.memref_slice %arg5[%dma_wait3A_156, %dma_wait3A_157] : memref<100001x64xf32, #tpu.memory_space<hbm>> -> memref<100001x64xf32, #tpu.memory_space<hbm>>
      tpu.wait_indirect_dma semaphore(%arg15 : memref<!tpu.dma_semaphore, #tpu.memory_space<semaphore_mem>>) src(%dma_wait3A_158 : memref<100001x64xf32, #tpu.memory_space<hbm>>) dst(%dma_wait3A_154 : memref<128x64xf32, #tpu.memory_space<vmem>>)
      %dma_wait3A_159 = arith.constant 128 : i32
      %dma_wait3A_160 = arith.constant 0 : i32
      %dma_wait3A_161 = tpu.memref_slice %arg11[%dma_wait3A_159, %dma_wait3A_160] : memref<640x64xf32, #tpu.memory_space<vmem>> -> memref<128x64xf32, #tpu.memory_space<vmem>>
      %dma_wait3A_162 = tpu.memref_slice %arg8[%add3A_35] : memref<5120xi32, #tpu.memory_space<vmem>> -> memref<128xi32, #tpu.memory_space<vmem>>
      %dma_wait3A_163 = arith.constant 0 : i32
      %dma_wait3A_164 = arith.constant 0 : i32
      %dma_wait3A_165 = tpu.memref_slice %arg5[%dma_wait3A_163, %dma_wait3A_164] : memref<100001x64xf32, #tpu.memory_space<hbm>> -> memref<100001x64xf32, #tpu.memory_space<hbm>>
      tpu.wait_indirect_dma semaphore(%arg15 : memref<!tpu.dma_semaphore, #tpu.memory_space<semaphore_mem>>) src(%dma_wait3A_165 : memref<100001x64xf32, #tpu.memory_space<hbm>>) dst(%dma_wait3A_161 : memref<128x64xf32, #tpu.memory_space<vmem>>)
      %dma_wait3A_166 = arith.constant 256 : i32
      %dma_wait3A_167 = arith.constant 0 : i32
      %dma_wait3A_168 = tpu.memref_slice %arg11[%dma_wait3A_166, %dma_wait3A_167] : memref<640x64xf32, #tpu.memory_space<vmem>> -> memref<128x64xf32, #tpu.memory_space<vmem>>
      %dma_wait3A_169 = tpu.memref_slice %arg8[%add3A_48] : memref<5120xi32, #tpu.memory_space<vmem>> -> memref<128xi32, #tpu.memory_space<vmem>>
      %dma_wait3A_170 = arith.constant 0 : i32
      %dma_wait3A_171 = arith.constant 0 : i32
      %dma_wait3A_172 = tpu.memref_slice %arg5[%dma_wait3A_170, %dma_wait3A_171] : memref<100001x64xf32, #tpu.memory_space<hbm>> -> memref<100001x64xf32, #tpu.memory_space<hbm>>
      tpu.wait_indirect_dma semaphore(%arg15 : memref<!tpu.dma_semaphore, #tpu.memory_space<semaphore_mem>>) src(%dma_wait3A_172 : memref<100001x64xf32, #tpu.memory_space<hbm>>) dst(%dma_wait3A_168 : memref<128x64xf32, #tpu.memory_space<vmem>>)
      %dma_wait3A_173 = arith.constant 384 : i32
      %dma_wait3A_174 = arith.constant 0 : i32
      %dma_wait3A_175 = tpu.memref_slice %arg11[%dma_wait3A_173, %dma_wait3A_174] : memref<640x64xf32, #tpu.memory_space<vmem>> -> memref<128x64xf32, #tpu.memory_space<vmem>>
      %dma_wait3A_176 = tpu.memref_slice %arg8[%add3A_61] : memref<5120xi32, #tpu.memory_space<vmem>> -> memref<128xi32, #tpu.memory_space<vmem>>
      %dma_wait3A_177 = arith.constant 0 : i32
      %dma_wait3A_178 = arith.constant 0 : i32
      %dma_wait3A_179 = tpu.memref_slice %arg5[%dma_wait3A_177, %dma_wait3A_178] : memref<100001x64xf32, #tpu.memory_space<hbm>> -> memref<100001x64xf32, #tpu.memory_space<hbm>>
      tpu.wait_indirect_dma semaphore(%arg15 : memref<!tpu.dma_semaphore, #tpu.memory_space<semaphore_mem>>) src(%dma_wait3A_179 : memref<100001x64xf32, #tpu.memory_space<hbm>>) dst(%dma_wait3A_175 : memref<128x64xf32, #tpu.memory_space<vmem>>)
      %dma_wait3A_180 = arith.constant 512 : i32
      %dma_wait3A_181 = arith.constant 0 : i32
      %dma_wait3A_182 = tpu.memref_slice %arg11[%dma_wait3A_180, %dma_wait3A_181] : memref<640x64xf32, #tpu.memory_space<vmem>> -> memref<128x64xf32, #tpu.memory_space<vmem>>
      %dma_wait3A_183 = tpu.memref_slice %arg8[%add3A_74] : memref<5120xi32, #tpu.memory_space<vmem>> -> memref<128xi32, #tpu.memory_space<vmem>>
      %dma_wait3A_184 = arith.constant 0 : i32
      %dma_wait3A_185 = arith.constant 0 : i32
      %dma_wait3A_186 = tpu.memref_slice %arg5[%dma_wait3A_184, %dma_wait3A_185] : memref<100001x64xf32, #tpu.memory_space<hbm>> -> memref<100001x64xf32, #tpu.memory_space<hbm>>
      tpu.wait_indirect_dma semaphore(%arg15 : memref<!tpu.dma_semaphore, #tpu.memory_space<semaphore_mem>>) src(%dma_wait3A_186 : memref<100001x64xf32, #tpu.memory_space<hbm>>) dst(%dma_wait3A_182 : memref<128x64xf32, #tpu.memory_space<vmem>>)
      %dma_wait3A_187 = tpu.memref_slice %arg10[%mul3A_83] : memref<512xi32, #tpu.memory_space<vmem>> -> memref<64xi32, #tpu.memory_space<vmem>>
      %dma_wait3A_188 = arith.constant 0 : i32
      %dma_wait3A_189 = arith.constant 0 : i32
      %dma_wait3A_190 = tpu.memref_slice %arg6[%dma_wait3A_188, %dma_wait3A_189] : memref<100000x64xf32, #tpu.memory_space<hbm>> -> memref<100000x64xf32, #tpu.memory_space<hbm>>
      tpu.wait_indirect_dma semaphore(%arg15 : memref<!tpu.dma_semaphore, #tpu.memory_space<semaphore_mem>>) src(%dma_wait3A_190 : memref<100000x64xf32, #tpu.memory_space<hbm>>) dst(%arg12 : memref<64x64xf32, #tpu.memory_space<vmem>>)
      %dma_wait3A_191 = arith.constant 0 : i32
      %dma_wait3A_192 = arith.constant 0 : i32
      %dma_wait3A_193 = tpu.memref_slice %arg13[%dma_wait3A_191, %dma_wait3A_192] : memref<320x64xf32, #tpu.memory_space<vmem>> -> memref<64x64xf32, #tpu.memory_space<vmem>>
      %dma_wait3A_194 = tpu.memref_slice %arg9[%add3A_93] : memref<2560xi32, #tpu.memory_space<vmem>> -> memref<64xi32, #tpu.memory_space<vmem>>
      %dma_wait3A_195 = arith.constant 0 : i32
      %dma_wait3A_196 = arith.constant 0 : i32
      %dma_wait3A_197 = tpu.memref_slice %arg6[%dma_wait3A_195, %dma_wait3A_196] : memref<100000x64xf32, #tpu.memory_space<hbm>> -> memref<100000x64xf32, #tpu.memory_space<hbm>>
      tpu.wait_indirect_dma semaphore(%arg15 : memref<!tpu.dma_semaphore, #tpu.memory_space<semaphore_mem>>) src(%dma_wait3A_197 : memref<100000x64xf32, #tpu.memory_space<hbm>>) dst(%dma_wait3A_193 : memref<64x64xf32, #tpu.memory_space<vmem>>)
      %dma_wait3A_198 = arith.constant 64 : i32
      %dma_wait3A_199 = arith.constant 0 : i32
      %dma_wait3A_200 = tpu.memref_slice %arg13[%dma_wait3A_198, %dma_wait3A_199] : memref<320x64xf32, #tpu.memory_space<vmem>> -> memref<64x64xf32, #tpu.memory_space<vmem>>
      %dma_wait3A_201 = tpu.memref_slice %arg9[%add3A_106] : memref<2560xi32, #tpu.memory_space<vmem>> -> memref<64xi32, #tpu.memory_space<vmem>>
      %dma_wait3A_202 = arith.constant 0 : i32
      %dma_wait3A_203 = arith.constant 0 : i32
      %dma_wait3A_204 = tpu.memref_slice %arg6[%dma_wait3A_202, %dma_wait3A_203] : memref<100000x64xf32, #tpu.memory_space<hbm>> -> memref<100000x64xf32, #tpu.memory_space<hbm>>
      tpu.wait_indirect_dma semaphore(%arg15 : memref<!tpu.dma_semaphore, #tpu.memory_space<semaphore_mem>>) src(%dma_wait3A_204 : memref<100000x64xf32, #tpu.memory_space<hbm>>) dst(%dma_wait3A_200 : memref<64x64xf32, #tpu.memory_space<vmem>>)
      %dma_wait3A_205 = arith.constant 128 : i32
      %dma_wait3A_206 = arith.constant 0 : i32
      %dma_wait3A_207 = tpu.memref_slice %arg13[%dma_wait3A_205, %dma_wait3A_206] : memref<320x64xf32, #tpu.memory_space<vmem>> -> memref<64x64xf32, #tpu.memory_space<vmem>>
      %dma_wait3A_208 = tpu.memref_slice %arg9[%add3A_119] : memref<2560xi32, #tpu.memory_space<vmem>> -> memref<64xi32, #tpu.memory_space<vmem>>
      %dma_wait3A_209 = arith.constant 0 : i32
      %dma_wait3A_210 = arith.constant 0 : i32
      %dma_wait3A_211 = tpu.memref_slice %arg6[%dma_wait3A_209, %dma_wait3A_210] : memref<100000x64xf32, #tpu.memory_space<hbm>> -> memref<100000x64xf32, #tpu.memory_space<hbm>>
      tpu.wait_indirect_dma semaphore(%arg15 : memref<!tpu.dma_semaphore, #tpu.memory_space<semaphore_mem>>) src(%dma_wait3A_211 : memref<100000x64xf32, #tpu.memory_space<hbm>>) dst(%dma_wait3A_207 : memref<64x64xf32, #tpu.memory_space<vmem>>)
      %dma_wait3A_212 = arith.constant 192 : i32
      %dma_wait3A_213 = arith.constant 0 : i32
      %dma_wait3A_214 = tpu.memref_slice %arg13[%dma_wait3A_212, %dma_wait3A_213] : memref<320x64xf32, #tpu.memory_space<vmem>> -> memref<64x64xf32, #tpu.memory_space<vmem>>
      %dma_wait3A_215 = tpu.memref_slice %arg9[%add3A_132] : memref<2560xi32, #tpu.memory_space<vmem>> -> memref<64xi32, #tpu.memory_space<vmem>>
      %dma_wait3A_216 = arith.constant 0 : i32
      %dma_wait3A_217 = arith.constant 0 : i32
      %dma_wait3A_218 = tpu.memref_slice %arg6[%dma_wait3A_216, %dma_wait3A_217] : memref<100000x64xf32, #tpu.memory_space<hbm>> -> memref<100000x64xf32, #tpu.memory_space<hbm>>
      tpu.wait_indirect_dma semaphore(%arg15 : memref<!tpu.dma_semaphore, #tpu.memory_space<semaphore_mem>>) src(%dma_wait3A_218 : memref<100000x64xf32, #tpu.memory_space<hbm>>) dst(%dma_wait3A_214 : memref<64x64xf32, #tpu.memory_space<vmem>>)
      %dma_wait3A_219 = arith.constant 256 : i32
      %dma_wait3A_220 = arith.constant 0 : i32
      %dma_wait3A_221 = tpu.memref_slice %arg13[%dma_wait3A_219, %dma_wait3A_220] : memref<320x64xf32, #tpu.memory_space<vmem>> -> memref<64x64xf32, #tpu.memory_space<vmem>>
      %dma_wait3A_222 = tpu.memref_slice %arg9[%add3A_145] : memref<2560xi32, #tpu.memory_space<vmem>> -> memref<64xi32, #tpu.memory_space<vmem>>
      %dma_wait3A_223 = arith.constant 0 : i32
      %dma_wait3A_224 = arith.constant 0 : i32
      %dma_wait3A_225 = tpu.memref_slice %arg6[%dma_wait3A_223, %dma_wait3A_224] : memref<100000x64xf32, #tpu.memory_space<hbm>> -> memref<100000x64xf32, #tpu.memory_space<hbm>>
      tpu.wait_indirect_dma semaphore(%arg15 : memref<!tpu.dma_semaphore, #tpu.memory_space<semaphore_mem>>) src(%dma_wait3A_225 : memref<100000x64xf32, #tpu.memory_space<hbm>>) dst(%dma_wait3A_221 : memref<64x64xf32, #tpu.memory_space<vmem>>)
      %scan3A_226 = arith.constant 0 : i32
      %scan3A_227 = arith.constant 0 : i32
      %scan3A_228 = arith.constant 64 : i32
      %scan3A_229 = arith.addi %scan3A_227, %scan3A_228 : i32
      %scan3A_230 = arith.constant 1 : i32
      scf.for %scan3A_255 = %scan3A_227 to %scan3A_229 step %scan3A_230  : i32 {
        %mul3A_256 = arith.constant 10 : i32
        %mul3A_257 = arith.muli %scan3A_255, %mul3A_256 : i32
        %get3A = arith.index_cast %mul3A_257 : i32 to index
        %get3A_258 = arith.constant 0 : index
        %get3A_259 = tpu.vector_load %arg11[%get3A, %get3A_258] {strides = array<i32>} : memref<640x64xf32, #tpu.memory_space<vmem>>, vector<1x16xf32>,
        %get3A_260 = vector.shape_cast %get3A_259 : vector<1x16xf32> to vector<16xf32>
        %mul3A_261 = arith.constant 10 : i32
        %mul3A_262 = arith.muli %scan3A_255, %mul3A_261 : i32
        %add3A_263 = arith.constant 1 : i32
        %add3A_264 = arith.addi %mul3A_262, %add3A_263 : i32
        %get3A_265 = arith.index_cast %add3A_264 : i32 to index
        %get3A_266 = arith.constant 0 : index
        %get3A_267 = tpu.vector_load %arg11[%get3A_265, %get3A_266] {strides = array<i32>} : memref<640x64xf32, #tpu.memory_space<vmem>>, vector<1x16xf32>,
        %get3A_268 = vector.shape_cast %get3A_267 : vector<1x16xf32> to vector<16xf32>
        %add3A_269 = arith.addf %get3A_260, %get3A_268 : vector<16xf32>
        %mul3A_270 = arith.constant 10 : i32
        %mul3A_271 = arith.muli %scan3A_255, %mul3A_270 : i32
        %add3A_272 = arith.constant 2 : i32
        %add3A_273 = arith.addi %mul3A_271, %add3A_272 : i32
        %get3A_274 = arith.index_cast %add3A_273 : i32 to index
        %get3A_275 = arith.constant 0 : index
        %get3A_276 = tpu.vector_load %arg11[%get3A_274, %get3A_275] {strides = array<i32>} : memref<640x64xf32, #tpu.memory_space<vmem>>, vector<1x16xf32>,
        %get3A_277 = vector.shape_cast %get3A_276 : vector<1x16xf32> to vector<16xf32>
        %add3A_278 = arith.addf %add3A_269, %get3A_277 : vector<16xf32>
        %mul3A_279 = arith.constant 10 : i32
        %mul3A_280 = arith.muli %scan3A_255, %mul3A_279 : i32
        %add3A_281 = arith.constant 3 : i32
        %add3A_282 = arith.addi %mul3A_280, %add3A_281 : i32
        %get3A_283 = arith.index_cast %add3A_282 : i32 to index
        %get3A_284 = arith.constant 0 : index
        %get3A_285 = tpu.vector_load %arg11[%get3A_283, %get3A_284] {strides = array<i32>} : memref<640x64xf32, #tpu.memory_space<vmem>>, vector<1x16xf32>,
        %get3A_286 = vector.shape_cast %get3A_285 : vector<1x16xf32> to vector<16xf32>
        %add3A_287 = arith.addf %add3A_278, %get3A_286 : vector<16xf32>
        %mul3A_288 = arith.constant 10 : i32
        %mul3A_289 = arith.muli %scan3A_255, %mul3A_288 : i32
        %add3A_290 = arith.constant 4 : i32
        %add3A_291 = arith.addi %mul3A_289, %add3A_290 : i32
        %get3A_292 = arith.index_cast %add3A_291 : i32 to index
        %get3A_293 = arith.constant 0 : index
        %get3A_294 = tpu.vector_load %arg11[%get3A_292, %get3A_293] {strides = array<i32>} : memref<640x64xf32, #tpu.memory_space<vmem>>, vector<1x16xf32>,
        %get3A_295 = vector.shape_cast %get3A_294 : vector<1x16xf32> to vector<16xf32>
        %add3A_296 = arith.addf %add3A_287, %get3A_295 : vector<16xf32>
        %mul3A_297 = arith.constant 10 : i32
        %mul3A_298 = arith.muli %scan3A_255, %mul3A_297 : i32
        %add3A_299 = arith.constant 5 : i32
        %add3A_300 = arith.addi %mul3A_298, %add3A_299 : i32
        %get3A_301 = arith.index_cast %add3A_300 : i32 to index
        %get3A_302 = arith.constant 0 : index
        %get3A_303 = tpu.vector_load %arg11[%get3A_301, %get3A_302] {strides = array<i32>} : memref<640x64xf32, #tpu.memory_space<vmem>>, vector<1x16xf32>,
        %get3A_304 = vector.shape_cast %get3A_303 : vector<1x16xf32> to vector<16xf32>
        %add3A_305 = arith.addf %add3A_296, %get3A_304 : vector<16xf32>
        %mul3A_306 = arith.constant 10 : i32
        %mul3A_307 = arith.muli %scan3A_255, %mul3A_306 : i32
        %add3A_308 = arith.constant 6 : i32
        %add3A_309 = arith.addi %mul3A_307, %add3A_308 : i32
        %get3A_310 = arith.index_cast %add3A_309 : i32 to index
        %get3A_311 = arith.constant 0 : index
        %get3A_312 = tpu.vector_load %arg11[%get3A_310, %get3A_311] {strides = array<i32>} : memref<640x64xf32, #tpu.memory_space<vmem>>, vector<1x16xf32>,
        %get3A_313 = vector.shape_cast %get3A_312 : vector<1x16xf32> to vector<16xf32>
        %add3A_314 = arith.addf %add3A_305, %get3A_313 : vector<16xf32>
        %mul3A_315 = arith.constant 10 : i32
        %mul3A_316 = arith.muli %scan3A_255, %mul3A_315 : i32
        %add3A_317 = arith.constant 7 : i32
        %add3A_318 = arith.addi %mul3A_316, %add3A_317 : i32
        %get3A_319 = arith.index_cast %add3A_318 : i32 to index
        %get3A_320 = arith.constant 0 : index
        %get3A_321 = tpu.vector_load %arg11[%get3A_319, %get3A_320] {strides = array<i32>} : memref<640x64xf32, #tpu.memory_space<vmem>>, vector<1x16xf32>,
        %get3A_322 = vector.shape_cast %get3A_321 : vector<1x16xf32> to vector<16xf32>
        %add3A_323 = arith.addf %add3A_314, %get3A_322 : vector<16xf32>
        %mul3A_324 = arith.constant 10 : i32
        %mul3A_325 = arith.muli %scan3A_255, %mul3A_324 : i32
        %add3A_326 = arith.constant 8 : i32
        %add3A_327 = arith.addi %mul3A_325, %add3A_326 : i32
        %get3A_328 = arith.index_cast %add3A_327 : i32 to index
        %get3A_329 = arith.constant 0 : index
        %get3A_330 = tpu.vector_load %arg11[%get3A_328, %get3A_329] {strides = array<i32>} : memref<640x64xf32, #tpu.memory_space<vmem>>, vector<1x16xf32>,
        %get3A_331 = vector.shape_cast %get3A_330 : vector<1x16xf32> to vector<16xf32>
        %add3A_332 = arith.addf %add3A_323, %get3A_331 : vector<16xf32>
        %mul3A_333 = arith.constant 10 : i32
        %mul3A_334 = arith.muli %scan3A_255, %mul3A_333 : i32
        %add3A_335 = arith.constant 9 : i32
        %add3A_336 = arith.addi %mul3A_334, %add3A_335 : i32
        %get3A_337 = arith.index_cast %add3A_336 : i32 to index
        %get3A_338 = arith.constant 0 : index
        %get3A_339 = tpu.vector_load %arg11[%get3A_337, %get3A_338] {strides = array<i32>} : memref<640x64xf32, #tpu.memory_space<vmem>>, vector<1x16xf32>,
        %get3A_340 = vector.shape_cast %get3A_339 : vector<1x16xf32> to vector<16xf32>
        %add3A_341 = arith.addf %add3A_332, %get3A_340 : vector<16xf32>
        %mul3A_342 = arith.constant 10 : i32
        %mul3A_343 = arith.muli %scan3A_255, %mul3A_342 : i32
        %get3A_344 = arith.index_cast %mul3A_343 : i32 to index
        %get3A_345 = arith.constant 16 : index
        %get3A_346 = tpu.vector_load %arg11[%get3A_344, %get3A_345] {strides = array<i32>} : memref<640x64xf32, #tpu.memory_space<vmem>>, vector<1x16xf32>,
        %get3A_347 = vector.shape_cast %get3A_346 : vector<1x16xf32> to vector<16xf32>
        %mul3A_348 = arith.constant 10 : i32
        %mul3A_349 = arith.muli %scan3A_255, %mul3A_348 : i32
        %add3A_350 = arith.constant 1 : i32
        %add3A_351 = arith.addi %mul3A_349, %add3A_350 : i32
        %get3A_352 = arith.index_cast %add3A_351 : i32 to index
        %get3A_353 = arith.constant 16 : index
        %get3A_354 = tpu.vector_load %arg11[%get3A_352, %get3A_353] {strides = array<i32>} : memref<640x64xf32, #tpu.memory_space<vmem>>, vector<1x16xf32>,
        %get3A_355 = vector.shape_cast %get3A_354 : vector<1x16xf32> to vector<16xf32>
        %add3A_356 = arith.addf %get3A_347, %get3A_355 : vector<16xf32>
        %mul3A_357 = arith.constant 10 : i32
        %mul3A_358 = arith.muli %scan3A_255, %mul3A_357 : i32
        %add3A_359 = arith.constant 2 : i32
        %add3A_360 = arith.addi %mul3A_358, %add3A_359 : i32
        %get3A_361 = arith.index_cast %add3A_360 : i32 to index
        %get3A_362 = arith.constant 16 : index
        %get3A_363 = tpu.vector_load %arg11[%get3A_361, %get3A_362] {strides = array<i32>} : memref<640x64xf32, #tpu.memory_space<vmem>>, vector<1x16xf32>,
        %get3A_364 = vector.shape_cast %get3A_363 : vector<1x16xf32> to vector<16xf32>
        %add3A_365 = arith.addf %add3A_356, %get3A_364 : vector<16xf32>
        %mul3A_366 = arith.constant 10 : i32
        %mul3A_367 = arith.muli %scan3A_255, %mul3A_366 : i32
        %add3A_368 = arith.constant 3 : i32
        %add3A_369 = arith.addi %mul3A_367, %add3A_368 : i32
        %get3A_370 = arith.index_cast %add3A_369 : i32 to index
        %get3A_371 = arith.constant 16 : index
        %get3A_372 = tpu.vector_load %arg11[%get3A_370, %get3A_371] {strides = array<i32>} : memref<640x64xf32, #tpu.memory_space<vmem>>, vector<1x16xf32>,
        %get3A_373 = vector.shape_cast %get3A_372 : vector<1x16xf32> to vector<16xf32>
        %add3A_374 = arith.addf %add3A_365, %get3A_373 : vector<16xf32>
        %mul3A_375 = arith.constant 10 : i32
        %mul3A_376 = arith.muli %scan3A_255, %mul3A_375 : i32
        %add3A_377 = arith.constant 4 : i32
        %add3A_378 = arith.addi %mul3A_376, %add3A_377 : i32
        %get3A_379 = arith.index_cast %add3A_378 : i32 to index
        %get3A_380 = arith.constant 16 : index
        %get3A_381 = tpu.vector_load %arg11[%get3A_379, %get3A_380] {strides = array<i32>} : memref<640x64xf32, #tpu.memory_space<vmem>>, vector<1x16xf32>,
        %get3A_382 = vector.shape_cast %get3A_381 : vector<1x16xf32> to vector<16xf32>
        %add3A_383 = arith.addf %add3A_374, %get3A_382 : vector<16xf32>
        %mul3A_384 = arith.constant 10 : i32
        %mul3A_385 = arith.muli %scan3A_255, %mul3A_384 : i32
        %add3A_386 = arith.constant 5 : i32
        %add3A_387 = arith.addi %mul3A_385, %add3A_386 : i32
        %get3A_388 = arith.index_cast %add3A_387 : i32 to index
        %get3A_389 = arith.constant 16 : index
        %get3A_390 = tpu.vector_load %arg11[%get3A_388, %get3A_389] {strides = array<i32>} : memref<640x64xf32, #tpu.memory_space<vmem>>, vector<1x16xf32>,
        %get3A_391 = vector.shape_cast %get3A_390 : vector<1x16xf32> to vector<16xf32>
        %add3A_392 = arith.addf %add3A_383, %get3A_391 : vector<16xf32>
        %mul3A_393 = arith.constant 10 : i32
        %mul3A_394 = arith.muli %scan3A_255, %mul3A_393 : i32
        %add3A_395 = arith.constant 6 : i32
        %add3A_396 = arith.addi %mul3A_394, %add3A_395 : i32
        %get3A_397 = arith.index_cast %add3A_396 : i32 to index
        %get3A_398 = arith.constant 16 : index
        %get3A_399 = tpu.vector_load %arg11[%get3A_397, %get3A_398] {strides = array<i32>} : memref<640x64xf32, #tpu.memory_space<vmem>>, vector<1x16xf32>,
        %get3A_400 = vector.shape_cast %get3A_399 : vector<1x16xf32> to vector<16xf32>
        %add3A_401 = arith.addf %add3A_392, %get3A_400 : vector<16xf32>
        %mul3A_402 = arith.constant 10 : i32
        %mul3A_403 = arith.muli %scan3A_255, %mul3A_402 : i32
        %add3A_404 = arith.constant 7 : i32
        %add3A_405 = arith.addi %mul3A_403, %add3A_404 : i32
        %get3A_406 = arith.index_cast %add3A_405 : i32 to index
        %get3A_407 = arith.constant 16 : index
        %get3A_408 = tpu.vector_load %arg11[%get3A_406, %get3A_407] {strides = array<i32>} : memref<640x64xf32, #tpu.memory_space<vmem>>, vector<1x16xf32>,
        %get3A_409 = vector.shape_cast %get3A_408 : vector<1x16xf32> to vector<16xf32>
        %add3A_410 = arith.addf %add3A_401, %get3A_409 : vector<16xf32>
        %mul3A_411 = arith.constant 10 : i32
        %mul3A_412 = arith.muli %scan3A_255, %mul3A_411 : i32
        %add3A_413 = arith.constant 8 : i32
        %add3A_414 = arith.addi %mul3A_412, %add3A_413 : i32
        %get3A_415 = arith.index_cast %add3A_414 : i32 to index
        %get3A_416 = arith.constant 16 : index
        %get3A_417 = tpu.vector_load %arg11[%get3A_415, %get3A_416] {strides = array<i32>} : memref<640x64xf32, #tpu.memory_space<vmem>>, vector<1x16xf32>,
        %get3A_418 = vector.shape_cast %get3A_417 : vector<1x16xf32> to vector<16xf32>
        %add3A_419 = arith.addf %add3A_410, %get3A_418 : vector<16xf32>
        %mul3A_420 = arith.constant 10 : i32
        %mul3A_421 = arith.muli %scan3A_255, %mul3A_420 : i32
        %add3A_422 = arith.constant 9 : i32
        %add3A_423 = arith.addi %mul3A_421, %add3A_422 : i32
        %get3A_424 = arith.index_cast %add3A_423 : i32 to index
        %get3A_425 = arith.constant 16 : index
        %get3A_426 = tpu.vector_load %arg11[%get3A_424, %get3A_425] {strides = array<i32>} : memref<640x64xf32, #tpu.memory_space<vmem>>, vector<1x16xf32>,
        %get3A_427 = vector.shape_cast %get3A_426 : vector<1x16xf32> to vector<16xf32>
        %add3A_428 = arith.addf %add3A_419, %get3A_427 : vector<16xf32>
        %mul3A_429 = arith.constant 10 : i32
        %mul3A_430 = arith.muli %scan3A_255, %mul3A_429 : i32
        %get3A_431 = arith.index_cast %mul3A_430 : i32 to index
        %get3A_432 = arith.constant 32 : index
        %get3A_433 = tpu.vector_load %arg11[%get3A_431, %get3A_432] {strides = array<i32>} : memref<640x64xf32, #tpu.memory_space<vmem>>, vector<1x16xf32>,
        %get3A_434 = vector.shape_cast %get3A_433 : vector<1x16xf32> to vector<16xf32>
        %mul3A_435 = arith.constant 10 : i32
        %mul3A_436 = arith.muli %scan3A_255, %mul3A_435 : i32
        %add3A_437 = arith.constant 1 : i32
        %add3A_438 = arith.addi %mul3A_436, %add3A_437 : i32
        %get3A_439 = arith.index_cast %add3A_438 : i32 to index
        %get3A_440 = arith.constant 32 : index
        %get3A_441 = tpu.vector_load %arg11[%get3A_439, %get3A_440] {strides = array<i32>} : memref<640x64xf32, #tpu.memory_space<vmem>>, vector<1x16xf32>,
        %get3A_442 = vector.shape_cast %get3A_441 : vector<1x16xf32> to vector<16xf32>
        %add3A_443 = arith.addf %get3A_434, %get3A_442 : vector<16xf32>
        %mul3A_444 = arith.constant 10 : i32
        %mul3A_445 = arith.muli %scan3A_255, %mul3A_444 : i32
        %add3A_446 = arith.constant 2 : i32
        %add3A_447 = arith.addi %mul3A_445, %add3A_446 : i32
        %get3A_448 = arith.index_cast %add3A_447 : i32 to index
        %get3A_449 = arith.constant 32 : index
        %get3A_450 = tpu.vector_load %arg11[%get3A_448, %get3A_449] {strides = array<i32>} : memref<640x64xf32, #tpu.memory_space<vmem>>, vector<1x16xf32>,
        %get3A_451 = vector.shape_cast %get3A_450 : vector<1x16xf32> to vector<16xf32>
        %add3A_452 = arith.addf %add3A_443, %get3A_451 : vector<16xf32>
        %mul3A_453 = arith.constant 10 : i32
        %mul3A_454 = arith.muli %scan3A_255, %mul3A_453 : i32
        %add3A_455 = arith.constant 3 : i32
        %add3A_456 = arith.addi %mul3A_454, %add3A_455 : i32
        %get3A_457 = arith.index_cast %add3A_456 : i32 to index
        %get3A_458 = arith.constant 32 : index
        %get3A_459 = tpu.vector_load %arg11[%get3A_457, %get3A_458] {strides = array<i32>} : memref<640x64xf32, #tpu.memory_space<vmem>>, vector<1x16xf32>,
        %get3A_460 = vector.shape_cast %get3A_459 : vector<1x16xf32> to vector<16xf32>
        %add3A_461 = arith.addf %add3A_452, %get3A_460 : vector<16xf32>
        %mul3A_462 = arith.constant 10 : i32
        %mul3A_463 = arith.muli %scan3A_255, %mul3A_462 : i32
        %add3A_464 = arith.constant 4 : i32
        %add3A_465 = arith.addi %mul3A_463, %add3A_464 : i32
        %get3A_466 = arith.index_cast %add3A_465 : i32 to index
        %get3A_467 = arith.constant 32 : index
        %get3A_468 = tpu.vector_load %arg11[%get3A_466, %get3A_467] {strides = array<i32>} : memref<640x64xf32, #tpu.memory_space<vmem>>, vector<1x16xf32>,
        %get3A_469 = vector.shape_cast %get3A_468 : vector<1x16xf32> to vector<16xf32>
        %add3A_470 = arith.addf %add3A_461, %get3A_469 : vector<16xf32>
        %mul3A_471 = arith.constant 10 : i32
        %mul3A_472 = arith.muli %scan3A_255, %mul3A_471 : i32
        %add3A_473 = arith.constant 5 : i32
        %add3A_474 = arith.addi %mul3A_472, %add3A_473 : i32
        %get3A_475 = arith.index_cast %add3A_474 : i32 to index
        %get3A_476 = arith.constant 32 : index
        %get3A_477 = tpu.vector_load %arg11[%get3A_475, %get3A_476] {strides = array<i32>} : memref<640x64xf32, #tpu.memory_space<vmem>>, vector<1x16xf32>,
        %get3A_478 = vector.shape_cast %get3A_477 : vector<1x16xf32> to vector<16xf32>
        %add3A_479 = arith.addf %add3A_470, %get3A_478 : vector<16xf32>
        %mul3A_480 = arith.constant 10 : i32
        %mul3A_481 = arith.muli %scan3A_255, %mul3A_480 : i32
        %add3A_482 = arith.constant 6 : i32
        %add3A_483 = arith.addi %mul3A_481, %add3A_482 : i32
        %get3A_484 = arith.index_cast %add3A_483 : i32 to index
        %get3A_485 = arith.constant 32 : index
        %get3A_486 = tpu.vector_load %arg11[%get3A_484, %get3A_485] {strides = array<i32>} : memref<640x64xf32, #tpu.memory_space<vmem>>, vector<1x16xf32>,
        %get3A_487 = vector.shape_cast %get3A_486 : vector<1x16xf32> to vector<16xf32>
        %add3A_488 = arith.addf %add3A_479, %get3A_487 : vector<16xf32>
        %mul3A_489 = arith.constant 10 : i32
        %mul3A_490 = arith.muli %scan3A_255, %mul3A_489 : i32
        %add3A_491 = arith.constant 7 : i32
        %add3A_492 = arith.addi %mul3A_490, %add3A_491 : i32
        %get3A_493 = arith.index_cast %add3A_492 : i32 to index
        %get3A_494 = arith.constant 32 : index
        %get3A_495 = tpu.vector_load %arg11[%get3A_493, %get3A_494] {strides = array<i32>} : memref<640x64xf32, #tpu.memory_space<vmem>>, vector<1x16xf32>,
        %get3A_496 = vector.shape_cast %get3A_495 : vector<1x16xf32> to vector<16xf32>
        %add3A_497 = arith.addf %add3A_488, %get3A_496 : vector<16xf32>
        %mul3A_498 = arith.constant 10 : i32
        %mul3A_499 = arith.muli %scan3A_255, %mul3A_498 : i32
        %add3A_500 = arith.constant 8 : i32
        %add3A_501 = arith.addi %mul3A_499, %add3A_500 : i32
        %get3A_502 = arith.index_cast %add3A_501 : i32 to index
        %get3A_503 = arith.constant 32 : index
        %get3A_504 = tpu.vector_load %arg11[%get3A_502, %get3A_503] {strides = array<i32>} : memref<640x64xf32, #tpu.memory_space<vmem>>, vector<1x16xf32>,
        %get3A_505 = vector.shape_cast %get3A_504 : vector<1x16xf32> to vector<16xf32>
        %add3A_506 = arith.addf %add3A_497, %get3A_505 : vector<16xf32>
        %mul3A_507 = arith.constant 10 : i32
        %mul3A_508 = arith.muli %scan3A_255, %mul3A_507 : i32
        %add3A_509 = arith.constant 9 : i32
        %add3A_510 = arith.addi %mul3A_508, %add3A_509 : i32
        %get3A_511 = arith.index_cast %add3A_510 : i32 to index
        %get3A_512 = arith.constant 32 : index
        %get3A_513 = tpu.vector_load %arg11[%get3A_511, %get3A_512] {strides = array<i32>} : memref<640x64xf32, #tpu.memory_space<vmem>>, vector<1x16xf32>,
        %get3A_514 = vector.shape_cast %get3A_513 : vector<1x16xf32> to vector<16xf32>
        %add3A_515 = arith.addf %add3A_506, %get3A_514 : vector<16xf32>
        %mul3A_516 = arith.constant 10 : i32
        %mul3A_517 = arith.muli %scan3A_255, %mul3A_516 : i32
        %get3A_518 = arith.index_cast %mul3A_517 : i32 to index
        %get3A_519 = arith.constant 48 : index
        %get3A_520 = tpu.vector_load %arg11[%get3A_518, %get3A_519] {strides = array<i32>} : memref<640x64xf32, #tpu.memory_space<vmem>>, vector<1x16xf32>,
        %get3A_521 = vector.shape_cast %get3A_520 : vector<1x16xf32> to vector<16xf32>
        %mul3A_522 = arith.constant 10 : i32
        %mul3A_523 = arith.muli %scan3A_255, %mul3A_522 : i32
        %add3A_524 = arith.constant 1 : i32
        %add3A_525 = arith.addi %mul3A_523, %add3A_524 : i32
        %get3A_526 = arith.index_cast %add3A_525 : i32 to index
        %get3A_527 = arith.constant 48 : index
        %get3A_528 = tpu.vector_load %arg11[%get3A_526, %get3A_527] {strides = array<i32>} : memref<640x64xf32, #tpu.memory_space<vmem>>, vector<1x16xf32>,
        %get3A_529 = vector.shape_cast %get3A_528 : vector<1x16xf32> to vector<16xf32>
        %add3A_530 = arith.addf %get3A_521, %get3A_529 : vector<16xf32>
        %mul3A_531 = arith.constant 10 : i32
        %mul3A_532 = arith.muli %scan3A_255, %mul3A_531 : i32
        %add3A_533 = arith.constant 2 : i32
        %add3A_534 = arith.addi %mul3A_532, %add3A_533 : i32
        %get3A_535 = arith.index_cast %add3A_534 : i32 to index
        %get3A_536 = arith.constant 48 : index
        %get3A_537 = tpu.vector_load %arg11[%get3A_535, %get3A_536] {strides = array<i32>} : memref<640x64xf32, #tpu.memory_space<vmem>>, vector<1x16xf32>,
        %get3A_538 = vector.shape_cast %get3A_537 : vector<1x16xf32> to vector<16xf32>
        %add3A_539 = arith.addf %add3A_530, %get3A_538 : vector<16xf32>
        %mul3A_540 = arith.constant 10 : i32
        %mul3A_541 = arith.muli %scan3A_255, %mul3A_540 : i32
        %add3A_542 = arith.constant 3 : i32
        %add3A_543 = arith.addi %mul3A_541, %add3A_542 : i32
        %get3A_544 = arith.index_cast %add3A_543 : i32 to index
        %get3A_545 = arith.constant 48 : index
        %get3A_546 = tpu.vector_load %arg11[%get3A_544, %get3A_545] {strides = array<i32>} : memref<640x64xf32, #tpu.memory_space<vmem>>, vector<1x16xf32>,
        %get3A_547 = vector.shape_cast %get3A_546 : vector<1x16xf32> to vector<16xf32>
        %add3A_548 = arith.addf %add3A_539, %get3A_547 : vector<16xf32>
        %mul3A_549 = arith.constant 10 : i32
        %mul3A_550 = arith.muli %scan3A_255, %mul3A_549 : i32
        %add3A_551 = arith.constant 4 : i32
        %add3A_552 = arith.addi %mul3A_550, %add3A_551 : i32
        %get3A_553 = arith.index_cast %add3A_552 : i32 to index
        %get3A_554 = arith.constant 48 : index
        %get3A_555 = tpu.vector_load %arg11[%get3A_553, %get3A_554] {strides = array<i32>} : memref<640x64xf32, #tpu.memory_space<vmem>>, vector<1x16xf32>,
        %get3A_556 = vector.shape_cast %get3A_555 : vector<1x16xf32> to vector<16xf32>
        %add3A_557 = arith.addf %add3A_548, %get3A_556 : vector<16xf32>
        %mul3A_558 = arith.constant 10 : i32
        %mul3A_559 = arith.muli %scan3A_255, %mul3A_558 : i32
        %add3A_560 = arith.constant 5 : i32
        %add3A_561 = arith.addi %mul3A_559, %add3A_560 : i32
        %get3A_562 = arith.index_cast %add3A_561 : i32 to index
        %get3A_563 = arith.constant 48 : index
        %get3A_564 = tpu.vector_load %arg11[%get3A_562, %get3A_563] {strides = array<i32>} : memref<640x64xf32, #tpu.memory_space<vmem>>, vector<1x16xf32>,
        %get3A_565 = vector.shape_cast %get3A_564 : vector<1x16xf32> to vector<16xf32>
        %add3A_566 = arith.addf %add3A_557, %get3A_565 : vector<16xf32>
        %mul3A_567 = arith.constant 10 : i32
        %mul3A_568 = arith.muli %scan3A_255, %mul3A_567 : i32
        %add3A_569 = arith.constant 6 : i32
        %add3A_570 = arith.addi %mul3A_568, %add3A_569 : i32
        %get3A_571 = arith.index_cast %add3A_570 : i32 to index
        %get3A_572 = arith.constant 48 : index
        %get3A_573 = tpu.vector_load %arg11[%get3A_571, %get3A_572] {strides = array<i32>} : memref<640x64xf32, #tpu.memory_space<vmem>>, vector<1x16xf32>,
        %get3A_574 = vector.shape_cast %get3A_573 : vector<1x16xf32> to vector<16xf32>
        %add3A_575 = arith.addf %add3A_566, %get3A_574 : vector<16xf32>
        %mul3A_576 = arith.constant 10 : i32
        %mul3A_577 = arith.muli %scan3A_255, %mul3A_576 : i32
        %add3A_578 = arith.constant 7 : i32
        %add3A_579 = arith.addi %mul3A_577, %add3A_578 : i32
        %get3A_580 = arith.index_cast %add3A_579 : i32 to index
        %get3A_581 = arith.constant 48 : index
        %get3A_582 = tpu.vector_load %arg11[%get3A_580, %get3A_581] {strides = array<i32>} : memref<640x64xf32, #tpu.memory_space<vmem>>, vector<1x16xf32>,
        %get3A_583 = vector.shape_cast %get3A_582 : vector<1x16xf32> to vector<16xf32>
        %add3A_584 = arith.addf %add3A_575, %get3A_583 : vector<16xf32>
        %mul3A_585 = arith.constant 10 : i32
        %mul3A_586 = arith.muli %scan3A_255, %mul3A_585 : i32
        %add3A_587 = arith.constant 8 : i32
        %add3A_588 = arith.addi %mul3A_586, %add3A_587 : i32
        %get3A_589 = arith.index_cast %add3A_588 : i32 to index
        %get3A_590 = arith.constant 48 : index
        %get3A_591 = tpu.vector_load %arg11[%get3A_589, %get3A_590] {strides = array<i32>} : memref<640x64xf32, #tpu.memory_space<vmem>>, vector<1x16xf32>,
        %get3A_592 = vector.shape_cast %get3A_591 : vector<1x16xf32> to vector<16xf32>
        %add3A_593 = arith.addf %add3A_584, %get3A_592 : vector<16xf32>
        %mul3A_594 = arith.constant 10 : i32
        %mul3A_595 = arith.muli %scan3A_255, %mul3A_594 : i32
        %add3A_596 = arith.constant 9 : i32
        %add3A_597 = arith.addi %mul3A_595, %add3A_596 : i32
        %get3A_598 = arith.index_cast %add3A_597 : i32 to index
        %get3A_599 = arith.constant 48 : index
        %get3A_600 = tpu.vector_load %arg11[%get3A_598, %get3A_599] {strides = array<i32>} : memref<640x64xf32, #tpu.memory_space<vmem>>, vector<1x16xf32>,
        %get3A_601 = vector.shape_cast %get3A_600 : vector<1x16xf32> to vector<16xf32>
        %add3A_602 = arith.addf %add3A_593, %get3A_601 : vector<16xf32>
        %get3A_603 = arith.index_cast %scan3A_255 : i32 to index
        %get3A_604 = arith.constant 0 : index
        %get3A_605 = tpu.vector_load %arg12[%get3A_603, %get3A_604] {strides = array<i32>} : memref<64x64xf32, #tpu.memory_space<vmem>>, vector<1x16xf32>,
        %get3A_606 = vector.shape_cast %get3A_605 : vector<1x16xf32> to vector<16xf32>
        %mul3A_607 = arith.mulf %add3A_341, %get3A_606 : vector<16xf32>
        %get3A_608 = arith.index_cast %scan3A_255 : i32 to index
        %get3A_609 = arith.constant 16 : index
        %get3A_610 = tpu.vector_load %arg12[%get3A_608, %get3A_609] {strides = array<i32>} : memref<64x64xf32, #tpu.memory_space<vmem>>, vector<1x16xf32>,
        %get3A_611 = vector.shape_cast %get3A_610 : vector<1x16xf32> to vector<16xf32>
        %mul3A_612 = arith.mulf %add3A_428, %get3A_611 : vector<16xf32>
        %add3A_613 = arith.addf %mul3A_607, %mul3A_612 : vector<16xf32>
        %get3A_614 = arith.index_cast %scan3A_255 : i32 to index
        %get3A_615 = arith.constant 32 : index
        %get3A_616 = tpu.vector_load %arg12[%get3A_614, %get3A_615] {strides = array<i32>} : memref<64x64xf32, #tpu.memory_space<vmem>>, vector<1x16xf32>,
        %get3A_617 = vector.shape_cast %get3A_616 : vector<1x16xf32> to vector<16xf32>
        %mul3A_618 = arith.mulf %add3A_515, %get3A_617 : vector<16xf32>
        %add3A_619 = arith.addf %add3A_613, %mul3A_618 : vector<16xf32>
        %get3A_620 = arith.index_cast %scan3A_255 : i32 to index
        %get3A_621 = arith.constant 48 : index
        %get3A_622 = tpu.vector_load %arg12[%get3A_620, %get3A_621] {strides = array<i32>} : memref<64x64xf32, #tpu.memory_space<vmem>>, vector<1x16xf32>,
        %get3A_623 = vector.shape_cast %get3A_622 : vector<1x16xf32> to vector<16xf32>
        %mul3A_624 = arith.mulf %add3A_602, %get3A_623 : vector<16xf32>
        %add3A_625 = arith.addf %add3A_619, %mul3A_624 : vector<16xf32>
        %swap3A = arith.constant 0 : i32
        %swap3A_626 = arith.index_cast %swap3A : i32 to index
        %swap3A_627 = arith.index_cast %scan3A_255 : i32 to index
        %swap3A_628 = arith.constant 0 : index
        %swap3A_629 = tpu.vector_load %arg14[%swap3A_626, %swap3A_627, %swap3A_628] {strides = array<i32>} : memref<6x64x16xf32, #tpu.memory_space<vmem>>, vector<1x1x16xf32>,
        %swap3A_630 = vector.shape_cast %swap3A_629 : vector<1x1x16xf32> to vector<16xf32>
        %swap3A_631 = vector.shape_cast %add3A_625 : vector<16xf32> to vector<1x1x16xf32>
        tpu.vector_store %arg14[%swap3A_626, %swap3A_627, %swap3A_628], %swap3A_631 {strides = array<i32>} : memref<6x64x16xf32, #tpu.memory_space<vmem>>, vector<1x1x16xf32>,
        %mul3A_632 = arith.constant 5 : i32
        %mul3A_633 = arith.muli %scan3A_255, %mul3A_632 : i32
        %add3A_634 = arith.constant 0 : i32
        %add3A_635 = arith.addi %mul3A_633, %add3A_634 : i32
        %get3A_636 = arith.index_cast %add3A_635 : i32 to index
        %get3A_637 = arith.constant 0 : index
        %get3A_638 = tpu.vector_load %arg13[%get3A_636, %get3A_637] {strides = array<i32>} : memref<320x64xf32, #tpu.memory_space<vmem>>, vector<1x16xf32>,
        %get3A_639 = vector.shape_cast %get3A_638 : vector<1x16xf32> to vector<16xf32>
        %mul3A_640 = arith.mulf %add3A_341, %get3A_639 : vector<16xf32>
        %mul3A_641 = arith.constant 5 : i32
        %mul3A_642 = arith.muli %scan3A_255, %mul3A_641 : i32
        %add3A_643 = arith.constant 0 : i32
        %add3A_644 = arith.addi %mul3A_642, %add3A_643 : i32
        %get3A_645 = arith.index_cast %add3A_644 : i32 to index
        %get3A_646 = arith.constant 16 : index
        %get3A_647 = tpu.vector_load %arg13[%get3A_645, %get3A_646] {strides = array<i32>} : memref<320x64xf32, #tpu.memory_space<vmem>>, vector<1x16xf32>,
        %get3A_648 = vector.shape_cast %get3A_647 : vector<1x16xf32> to vector<16xf32>
        %mul3A_649 = arith.mulf %add3A_428, %get3A_648 : vector<16xf32>
        %add3A_650 = arith.addf %mul3A_640, %mul3A_649 : vector<16xf32>
        %mul3A_651 = arith.constant 5 : i32
        %mul3A_652 = arith.muli %scan3A_255, %mul3A_651 : i32
        %add3A_653 = arith.constant 0 : i32
        %add3A_654 = arith.addi %mul3A_652, %add3A_653 : i32
        %get3A_655 = arith.index_cast %add3A_654 : i32 to index
        %get3A_656 = arith.constant 32 : index
        %get3A_657 = tpu.vector_load %arg13[%get3A_655, %get3A_656] {strides = array<i32>} : memref<320x64xf32, #tpu.memory_space<vmem>>, vector<1x16xf32>,
        %get3A_658 = vector.shape_cast %get3A_657 : vector<1x16xf32> to vector<16xf32>
        %mul3A_659 = arith.mulf %add3A_515, %get3A_658 : vector<16xf32>
        %add3A_660 = arith.addf %add3A_650, %mul3A_659 : vector<16xf32>
        %mul3A_661 = arith.constant 5 : i32
        %mul3A_662 = arith.muli %scan3A_255, %mul3A_661 : i32
        %add3A_663 = arith.constant 0 : i32
        %add3A_664 = arith.addi %mul3A_662, %add3A_663 : i32
        %get3A_665 = arith.index_cast %add3A_664 : i32 to index
        %get3A_666 = arith.constant 48 : index
        %get3A_667 = tpu.vector_load %arg13[%get3A_665, %get3A_666] {strides = array<i32>} : memref<320x64xf32, #tpu.memory_space<vmem>>, vector<1x16xf32>,
        %get3A_668 = vector.shape_cast %get3A_667 : vector<1x16xf32> to vector<16xf32>
        %mul3A_669 = arith.mulf %add3A_602, %get3A_668 : vector<16xf32>
        %add3A_670 = arith.addf %add3A_660, %mul3A_669 : vector<16xf32>
        %swap3A_671 = arith.constant 1 : i32
        %swap3A_672 = arith.index_cast %swap3A_671 : i32 to index
        %swap3A_673 = arith.index_cast %scan3A_255 : i32 to index
        %swap3A_674 = arith.constant 0 : index
        %swap3A_675 = tpu.vector_load %arg14[%swap3A_672, %swap3A_673, %swap3A_674] {strides = array<i32>} : memref<6x64x16xf32, #tpu.memory_space<vmem>>, vector<1x1x16xf32>,
        %swap3A_676 = vector.shape_cast %swap3A_675 : vector<1x1x16xf32> to vector<16xf32>
        %swap3A_677 = vector.shape_cast %add3A_670 : vector<16xf32> to vector<1x1x16xf32>
        tpu.vector_store %arg14[%swap3A_672, %swap3A_673, %swap3A_674], %swap3A_677 {strides = array<i32>} : memref<6x64x16xf32, #tpu.memory_space<vmem>>, vector<1x1x16xf32>,
        %mul3A_678 = arith.constant 5 : i32
        %mul3A_679 = arith.muli %scan3A_255, %mul3A_678 : i32
        %add3A_680 = arith.constant 1 : i32
        %add3A_681 = arith.addi %mul3A_679, %add3A_680 : i32
        %get3A_682 = arith.index_cast %add3A_681 : i32 to index
        %get3A_683 = arith.constant 0 : index
        %get3A_684 = tpu.vector_load %arg13[%get3A_682, %get3A_683] {strides = array<i32>} : memref<320x64xf32, #tpu.memory_space<vmem>>, vector<1x16xf32>,
        %get3A_685 = vector.shape_cast %get3A_684 : vector<1x16xf32> to vector<16xf32>
        %mul3A_686 = arith.mulf %add3A_341, %get3A_685 : vector<16xf32>
        %mul3A_687 = arith.constant 5 : i32
        %mul3A_688 = arith.muli %scan3A_255, %mul3A_687 : i32
        %add3A_689 = arith.constant 1 : i32
        %add3A_690 = arith.addi %mul3A_688, %add3A_689 : i32
        %get3A_691 = arith.index_cast %add3A_690 : i32 to index
        %get3A_692 = arith.constant 16 : index
        %get3A_693 = tpu.vector_load %arg13[%get3A_691, %get3A_692] {strides = array<i32>} : memref<320x64xf32, #tpu.memory_space<vmem>>, vector<1x16xf32>,
        %get3A_694 = vector.shape_cast %get3A_693 : vector<1x16xf32> to vector<16xf32>
        %mul3A_695 = arith.mulf %add3A_428, %get3A_694 : vector<16xf32>
        %add3A_696 = arith.addf %mul3A_686, %mul3A_695 : vector<16xf32>
        %mul3A_697 = arith.constant 5 : i32
        %mul3A_698 = arith.muli %scan3A_255, %mul3A_697 : i32
        %add3A_699 = arith.constant 1 : i32
        %add3A_700 = arith.addi %mul3A_698, %add3A_699 : i32
        %get3A_701 = arith.index_cast %add3A_700 : i32 to index
        %get3A_702 = arith.constant 32 : index
        %get3A_703 = tpu.vector_load %arg13[%get3A_701, %get3A_702] {strides = array<i32>} : memref<320x64xf32, #tpu.memory_space<vmem>>, vector<1x16xf32>,
        %get3A_704 = vector.shape_cast %get3A_703 : vector<1x16xf32> to vector<16xf32>
        %mul3A_705 = arith.mulf %add3A_515, %get3A_704 : vector<16xf32>
        %add3A_706 = arith.addf %add3A_696, %mul3A_705 : vector<16xf32>
        %mul3A_707 = arith.constant 5 : i32
        %mul3A_708 = arith.muli %scan3A_255, %mul3A_707 : i32
        %add3A_709 = arith.constant 1 : i32
        %add3A_710 = arith.addi %mul3A_708, %add3A_709 : i32
        %get3A_711 = arith.index_cast %add3A_710 : i32 to index
        %get3A_712 = arith.constant 48 : index
        %get3A_713 = tpu.vector_load %arg13[%get3A_711, %get3A_712] {strides = array<i32>} : memref<320x64xf32, #tpu.memory_space<vmem>>, vector<1x16xf32>,
        %get3A_714 = vector.shape_cast %get3A_713 : vector<1x16xf32> to vector<16xf32>
        %mul3A_715 = arith.mulf %add3A_602, %get3A_714 : vector<16xf32>
        %add3A_716 = arith.addf %add3A_706, %mul3A_715 : vector<16xf32>
        %swap3A_717 = arith.constant 2 : i32
        %swap3A_718 = arith.index_cast %swap3A_717 : i32 to index
        %swap3A_719 = arith.index_cast %scan3A_255 : i32 to index
        %swap3A_720 = arith.constant 0 : index
        %swap3A_721 = tpu.vector_load %arg14[%swap3A_718, %swap3A_719, %swap3A_720] {strides = array<i32>} : memref<6x64x16xf32, #tpu.memory_space<vmem>>, vector<1x1x16xf32>,
        %swap3A_722 = vector.shape_cast %swap3A_721 : vector<1x1x16xf32> to vector<16xf32>
        %swap3A_723 = vector.shape_cast %add3A_716 : vector<16xf32> to vector<1x1x16xf32>
        tpu.vector_store %arg14[%swap3A_718, %swap3A_719, %swap3A_720], %swap3A_723 {strides = array<i32>} : memref<6x64x16xf32, #tpu.memory_space<vmem>>, vector<1x1x16xf32>,
        %mul3A_724 = arith.constant 5 : i32
        %mul3A_725 = arith.muli %scan3A_255, %mul3A_724 : i32
        %add3A_726 = arith.constant 2 : i32
        %add3A_727 = arith.addi %mul3A_725, %add3A_726 : i32
        %get3A_728 = arith.index_cast %add3A_727 : i32 to index
        %get3A_729 = arith.constant 0 : index
        %get3A_730 = tpu.vector_load %arg13[%get3A_728, %get3A_729] {strides = array<i32>} : memref<320x64xf32, #tpu.memory_space<vmem>>, vector<1x16xf32>,
        %get3A_731 = vector.shape_cast %get3A_730 : vector<1x16xf32> to vector<16xf32>
        %mul3A_732 = arith.mulf %add3A_341, %get3A_731 : vector<16xf32>
        %mul3A_733 = arith.constant 5 : i32
        %mul3A_734 = arith.muli %scan3A_255, %mul3A_733 : i32
        %add3A_735 = arith.constant 2 : i32
        %add3A_736 = arith.addi %mul3A_734, %add3A_735 : i32
        %get3A_737 = arith.index_cast %add3A_736 : i32 to index
        %get3A_738 = arith.constant 16 : index
        %get3A_739 = tpu.vector_load %arg13[%get3A_737, %get3A_738] {strides = array<i32>} : memref<320x64xf32, #tpu.memory_space<vmem>>, vector<1x16xf32>,
        %get3A_740 = vector.shape_cast %get3A_739 : vector<1x16xf32> to vector<16xf32>
        %mul3A_741 = arith.mulf %add3A_428, %get3A_740 : vector<16xf32>
        %add3A_742 = arith.addf %mul3A_732, %mul3A_741 : vector<16xf32>
        %mul3A_743 = arith.constant 5 : i32
        %mul3A_744 = arith.muli %scan3A_255, %mul3A_743 : i32
        %add3A_745 = arith.constant 2 : i32
        %add3A_746 = arith.addi %mul3A_744, %add3A_745 : i32
        %get3A_747 = arith.index_cast %add3A_746 : i32 to index
        %get3A_748 = arith.constant 32 : index
        %get3A_749 = tpu.vector_load %arg13[%get3A_747, %get3A_748] {strides = array<i32>} : memref<320x64xf32, #tpu.memory_space<vmem>>, vector<1x16xf32>,
        %get3A_750 = vector.shape_cast %get3A_749 : vector<1x16xf32> to vector<16xf32>
        %mul3A_751 = arith.mulf %add3A_515, %get3A_750 : vector<16xf32>
        %add3A_752 = arith.addf %add3A_742, %mul3A_751 : vector<16xf32>
        %mul3A_753 = arith.constant 5 : i32
        %mul3A_754 = arith.muli %scan3A_255, %mul3A_753 : i32
        %add3A_755 = arith.constant 2 : i32
        %add3A_756 = arith.addi %mul3A_754, %add3A_755 : i32
        %get3A_757 = arith.index_cast %add3A_756 : i32 to index
        %get3A_758 = arith.constant 48 : index
        %get3A_759 = tpu.vector_load %arg13[%get3A_757, %get3A_758] {strides = array<i32>} : memref<320x64xf32, #tpu.memory_space<vmem>>, vector<1x16xf32>,
        %get3A_760 = vector.shape_cast %get3A_759 : vector<1x16xf32> to vector<16xf32>
        %mul3A_761 = arith.mulf %add3A_602, %get3A_760 : vector<16xf32>
        %add3A_762 = arith.addf %add3A_752, %mul3A_761 : vector<16xf32>
        %swap3A_763 = arith.constant 3 : i32
        %swap3A_764 = arith.index_cast %swap3A_763 : i32 to index
        %swap3A_765 = arith.index_cast %scan3A_255 : i32 to index
        %swap3A_766 = arith.constant 0 : index
        %swap3A_767 = tpu.vector_load %arg14[%swap3A_764, %swap3A_765, %swap3A_766] {strides = array<i32>} : memref<6x64x16xf32, #tpu.memory_space<vmem>>, vector<1x1x16xf32>,
        %swap3A_768 = vector.shape_cast %swap3A_767 : vector<1x1x16xf32> to vector<16xf32>
        %swap3A_769 = vector.shape_cast %add3A_762 : vector<16xf32> to vector<1x1x16xf32>
        tpu.vector_store %arg14[%swap3A_764, %swap3A_765, %swap3A_766], %swap3A_769 {strides = array<i32>} : memref<6x64x16xf32, #tpu.memory_space<vmem>>, vector<1x1x16xf32>,
        %mul3A_770 = arith.constant 5 : i32
        %mul3A_771 = arith.muli %scan3A_255, %mul3A_770 : i32
        %add3A_772 = arith.constant 3 : i32
        %add3A_773 = arith.addi %mul3A_771, %add3A_772 : i32
        %get3A_774 = arith.index_cast %add3A_773 : i32 to index
        %get3A_775 = arith.constant 0 : index
        %get3A_776 = tpu.vector_load %arg13[%get3A_774, %get3A_775] {strides = array<i32>} : memref<320x64xf32, #tpu.memory_space<vmem>>, vector<1x16xf32>,
        %get3A_777 = vector.shape_cast %get3A_776 : vector<1x16xf32> to vector<16xf32>
        %mul3A_778 = arith.mulf %add3A_341, %get3A_777 : vector<16xf32>
        %mul3A_779 = arith.constant 5 : i32
        %mul3A_780 = arith.muli %scan3A_255, %mul3A_779 : i32
        %add3A_781 = arith.constant 3 : i32
        %add3A_782 = arith.addi %mul3A_780, %add3A_781 : i32
        %get3A_783 = arith.index_cast %add3A_782 : i32 to index
        %get3A_784 = arith.constant 16 : index
        %get3A_785 = tpu.vector_load %arg13[%get3A_783, %get3A_784] {strides = array<i32>} : memref<320x64xf32, #tpu.memory_space<vmem>>, vector<1x16xf32>,
        %get3A_786 = vector.shape_cast %get3A_785 : vector<1x16xf32> to vector<16xf32>
        %mul3A_787 = arith.mulf %add3A_428, %get3A_786 : vector<16xf32>
        %add3A_788 = arith.addf %mul3A_778, %mul3A_787 : vector<16xf32>
        %mul3A_789 = arith.constant 5 : i32
        %mul3A_790 = arith.muli %scan3A_255, %mul3A_789 : i32
        %add3A_791 = arith.constant 3 : i32
        %add3A_792 = arith.addi %mul3A_790, %add3A_791 : i32
        %get3A_793 = arith.index_cast %add3A_792 : i32 to index
        %get3A_794 = arith.constant 32 : index
        %get3A_795 = tpu.vector_load %arg13[%get3A_793, %get3A_794] {strides = array<i32>} : memref<320x64xf32, #tpu.memory_space<vmem>>, vector<1x16xf32>,
        %get3A_796 = vector.shape_cast %get3A_795 : vector<1x16xf32> to vector<16xf32>
        %mul3A_797 = arith.mulf %add3A_515, %get3A_796 : vector<16xf32>
        %add3A_798 = arith.addf %add3A_788, %mul3A_797 : vector<16xf32>
        %mul3A_799 = arith.constant 5 : i32
        %mul3A_800 = arith.muli %scan3A_255, %mul3A_799 : i32
        %add3A_801 = arith.constant 3 : i32
        %add3A_802 = arith.addi %mul3A_800, %add3A_801 : i32
        %get3A_803 = arith.index_cast %add3A_802 : i32 to index
        %get3A_804 = arith.constant 48 : index
        %get3A_805 = tpu.vector_load %arg13[%get3A_803, %get3A_804] {strides = array<i32>} : memref<320x64xf32, #tpu.memory_space<vmem>>, vector<1x16xf32>,
        %get3A_806 = vector.shape_cast %get3A_805 : vector<1x16xf32> to vector<16xf32>
        %mul3A_807 = arith.mulf %add3A_602, %get3A_806 : vector<16xf32>
        %add3A_808 = arith.addf %add3A_798, %mul3A_807 : vector<16xf32>
        %swap3A_809 = arith.constant 4 : i32
        %swap3A_810 = arith.index_cast %swap3A_809 : i32 to index
        %swap3A_811 = arith.index_cast %scan3A_255 : i32 to index
        %swap3A_812 = arith.constant 0 : index
        %swap3A_813 = tpu.vector_load %arg14[%swap3A_810, %swap3A_811, %swap3A_812] {strides = array<i32>} : memref<6x64x16xf32, #tpu.memory_space<vmem>>, vector<1x1x16xf32>,
        %swap3A_814 = vector.shape_cast %swap3A_813 : vector<1x1x16xf32> to vector<16xf32>
        %swap3A_815 = vector.shape_cast %add3A_808 : vector<16xf32> to vector<1x1x16xf32>
        tpu.vector_store %arg14[%swap3A_810, %swap3A_811, %swap3A_812], %swap3A_815 {strides = array<i32>} : memref<6x64x16xf32, #tpu.memory_space<vmem>>, vector<1x1x16xf32>,
        %mul3A_816 = arith.constant 5 : i32
        %mul3A_817 = arith.muli %scan3A_255, %mul3A_816 : i32
        %add3A_818 = arith.constant 4 : i32
        %add3A_819 = arith.addi %mul3A_817, %add3A_818 : i32
        %get3A_820 = arith.index_cast %add3A_819 : i32 to index
        %get3A_821 = arith.constant 0 : index
        %get3A_822 = tpu.vector_load %arg13[%get3A_820, %get3A_821] {strides = array<i32>} : memref<320x64xf32, #tpu.memory_space<vmem>>, vector<1x16xf32>,
        %get3A_823 = vector.shape_cast %get3A_822 : vector<1x16xf32> to vector<16xf32>
        %mul3A_824 = arith.mulf %add3A_341, %get3A_823 : vector<16xf32>
        %mul3A_825 = arith.constant 5 : i32
        %mul3A_826 = arith.muli %scan3A_255, %mul3A_825 : i32
        %add3A_827 = arith.constant 4 : i32
        %add3A_828 = arith.addi %mul3A_826, %add3A_827 : i32
        %get3A_829 = arith.index_cast %add3A_828 : i32 to index
        %get3A_830 = arith.constant 16 : index
        %get3A_831 = tpu.vector_load %arg13[%get3A_829, %get3A_830] {strides = array<i32>} : memref<320x64xf32, #tpu.memory_space<vmem>>, vector<1x16xf32>,
        %get3A_832 = vector.shape_cast %get3A_831 : vector<1x16xf32> to vector<16xf32>
        %mul3A_833 = arith.mulf %add3A_428, %get3A_832 : vector<16xf32>
        %add3A_834 = arith.addf %mul3A_824, %mul3A_833 : vector<16xf32>
        %mul3A_835 = arith.constant 5 : i32
        %mul3A_836 = arith.muli %scan3A_255, %mul3A_835 : i32
        %add3A_837 = arith.constant 4 : i32
        %add3A_838 = arith.addi %mul3A_836, %add3A_837 : i32
        %get3A_839 = arith.index_cast %add3A_838 : i32 to index
        %get3A_840 = arith.constant 32 : index
        %get3A_841 = tpu.vector_load %arg13[%get3A_839, %get3A_840] {strides = array<i32>} : memref<320x64xf32, #tpu.memory_space<vmem>>, vector<1x16xf32>,
        %get3A_842 = vector.shape_cast %get3A_841 : vector<1x16xf32> to vector<16xf32>
        %mul3A_843 = arith.mulf %add3A_515, %get3A_842 : vector<16xf32>
        %add3A_844 = arith.addf %add3A_834, %mul3A_843 : vector<16xf32>
        %mul3A_845 = arith.constant 5 : i32
        %mul3A_846 = arith.muli %scan3A_255, %mul3A_845 : i32
        %add3A_847 = arith.constant 4 : i32
        %add3A_848 = arith.addi %mul3A_846, %add3A_847 : i32
        %get3A_849 = arith.index_cast %add3A_848 : i32 to index
        %get3A_850 = arith.constant 48 : index
        %get3A_851 = tpu.vector_load %arg13[%get3A_849, %get3A_850] {strides = array<i32>} : memref<320x64xf32, #tpu.memory_space<vmem>>, vector<1x16xf32>,
        %get3A_852 = vector.shape_cast %get3A_851 : vector<1x16xf32> to vector<16xf32>
        %mul3A_853 = arith.mulf %add3A_602, %get3A_852 : vector<16xf32>
        %add3A_854 = arith.addf %add3A_844, %mul3A_853 : vector<16xf32>
        %swap3A_855 = arith.constant 5 : i32
        %swap3A_856 = arith.index_cast %swap3A_855 : i32 to index
        %swap3A_857 = arith.index_cast %scan3A_255 : i32 to index
        %swap3A_858 = arith.constant 0 : index
        %swap3A_859 = tpu.vector_load %arg14[%swap3A_856, %swap3A_857, %swap3A_858] {strides = array<i32>} : memref<6x64x16xf32, #tpu.memory_space<vmem>>, vector<1x1x16xf32>,
        %swap3A_860 = vector.shape_cast %swap3A_859 : vector<1x1x16xf32> to vector<16xf32>
        %swap3A_861 = vector.shape_cast %add3A_854 : vector<16xf32> to vector<1x1x16xf32>
        tpu.vector_store %arg14[%swap3A_856, %swap3A_857, %swap3A_858], %swap3A_861 {strides = array<i32>} : memref<6x64x16xf32, #tpu.memory_space<vmem>>, vector<1x1x16xf32>,
      }
      %scan3A_231 = arith.constant 64 : i32
      %add3A_232 = arith.constant 0 : i32
      %add3A_233 = arith.addi %add3A_232, %add3A_17 : i32
      %multiple_of3A_234 = tpu.assume_multiple %add3A_233, 8 : i32
      %run_scoped3A = arith.constant 0 : i32
      "tpu.region"() ({
        %run_scoped3A_255 = tpu.sem_alloc : memref<!tpu.dma_semaphore, #tpu.memory_space<semaphore_mem>>
        %dma_start3A_256 = arith.constant 0 : i32
        %dma_start3A_257 = arith.constant 0 : i32
        %dma_start3A_258 = tpu.memref_slice %arg14[%run_scoped3A, %dma_start3A_256, %dma_start3A_257] : memref<6x64x16xf32, #tpu.memory_space<vmem>> -> memref<1x64x16xf32, #tpu.memory_space<vmem>>
        %dma_start3A_259 = tpu.memref_squeeze %dma_start3A_258 : memref<1x64x16xf32, #tpu.memory_space<vmem>> -> memref<64x16xf32, #tpu.memory_space<vmem>>
        %dma_start3A_260 = arith.constant 0 : i32
        %dma_start3A_261 = tpu.memref_slice %arg7[%multiple_of3A_234, %dma_start3A_260] : memref<98304x16xf32, #tpu.memory_space<hbm>> -> memref<64x16xf32, #tpu.memory_space<hbm>>
        %dma_start3A_262 = arith.constant 0 : i32
        %dma_start3A_263 = tpu.memref_slice %arg7[%multiple_of3A_234, %dma_start3A_262] : memref<98304x16xf32, #tpu.memory_space<hbm>> -> memref<64x16xf32, #tpu.memory_space<hbm>>
        %dma_start3A_264 = arith.constant 0 : i32
        %dma_start3A_265 = arith.constant 0 : i32
        %dma_start3A_266 = tpu.memref_slice %arg14[%run_scoped3A, %dma_start3A_264, %dma_start3A_265] : memref<6x64x16xf32, #tpu.memory_space<vmem>> -> memref<1x64x16xf32, #tpu.memory_space<vmem>>
        %dma_start3A_267 = tpu.memref_squeeze %dma_start3A_266 : memref<1x64x16xf32, #tpu.memory_space<vmem>> -> memref<64x16xf32, #tpu.memory_space<vmem>>
        tpu.enqueue_dma source(%dma_start3A_267 : memref<64x16xf32, #tpu.memory_space<vmem>>) target(%dma_start3A_263 : memref<64x16xf32, #tpu.memory_space<hbm>>) target_semaphore(%run_scoped3A_255 : memref<!tpu.dma_semaphore, #tpu.memory_space<semaphore_mem>>)
        %dma_wait3A_268 = arith.constant 0 : i32
        %dma_wait3A_269 = arith.constant 0 : i32
        %dma_wait3A_270 = tpu.memref_slice %arg14[%run_scoped3A, %dma_wait3A_268, %dma_wait3A_269] : memref<6x64x16xf32, #tpu.memory_space<vmem>> -> memref<1x64x16xf32, #tpu.memory_space<vmem>>
        %dma_wait3A_271 = tpu.memref_squeeze %dma_wait3A_270 : memref<1x64x16xf32, #tpu.memory_space<vmem>> -> memref<64x16xf32, #tpu.memory_space<vmem>>
        %dma_wait3A_272 = arith.constant 0 : i32
        %dma_wait3A_273 = tpu.memref_slice %arg7[%multiple_of3A_234, %dma_wait3A_272] : memref<98304x16xf32, #tpu.memory_space<hbm>> -> memref<64x16xf32, #tpu.memory_space<hbm>>
        %dma_wait3A_274 = arith.constant 0 : i32
        %dma_wait3A_275 = tpu.memref_slice %arg7[%multiple_of3A_234, %dma_wait3A_274] : memref<98304x16xf32, #tpu.memory_space<hbm>> -> memref<64x16xf32, #tpu.memory_space<hbm>>
        %dma_wait3A_276 = arith.constant 0 : i32
        %dma_wait3A_277 = arith.constant 0 : i32
        %dma_wait3A_278 = tpu.memref_slice %arg14[%run_scoped3A, %dma_wait3A_276, %dma_wait3A_277] : memref<6x64x16xf32, #tpu.memory_space<vmem>> -> memref<1x64x16xf32, #tpu.memory_space<vmem>>
        %dma_wait3A_279 = tpu.memref_squeeze %dma_wait3A_278 : memref<1x64x16xf32, #tpu.memory_space<vmem>> -> memref<64x16xf32, #tpu.memory_space<vmem>>
        tpu.wait_dma2 semaphore(%run_scoped3A_255 : memref<!tpu.dma_semaphore, #tpu.memory_space<semaphore_mem>>) src(%dma_wait3A_279 : memref<64x16xf32, #tpu.memory_space<vmem>>) dst(%dma_wait3A_275 : memref<64x16xf32, #tpu.memory_space<hbm>>)
        tpu.yield
      }) : () -> ()
      %add3A_235 = arith.constant 16384 : i32
      %add3A_236 = arith.addi %add3A_235, %add3A_17 : i32
      %multiple_of3A_237 = tpu.assume_multiple %add3A_236, 8 : i32
      %run_scoped3A_238 = arith.constant 1 : i32
      "tpu.region"() ({
        %run_scoped3A_255 = tpu.sem_alloc : memref<!tpu.dma_semaphore, #tpu.memory_space<semaphore_mem>>
        %dma_start3A_256 = arith.constant 0 : i32
        %dma_start3A_257 = arith.constant 0 : i32
        %dma_start3A_258 = tpu.memref_slice %arg14[%run_scoped3A_238, %dma_start3A_256, %dma_start3A_257] : memref<6x64x16xf32, #tpu.memory_space<vmem>> -> memref<1x64x16xf32, #tpu.memory_space<vmem>>
        %dma_start3A_259 = tpu.memref_squeeze %dma_start3A_258 : memref<1x64x16xf32, #tpu.memory_space<vmem>> -> memref<64x16xf32, #tpu.memory_space<vmem>>
        %dma_start3A_260 = arith.constant 0 : i32
        %dma_start3A_261 = tpu.memref_slice %arg7[%multiple_of3A_237, %dma_start3A_260] : memref<98304x16xf32, #tpu.memory_space<hbm>> -> memref<64x16xf32, #tpu.memory_space<hbm>>
        %dma_start3A_262 = arith.constant 0 : i32
        %dma_start3A_263 = tpu.memref_slice %arg7[%multiple_of3A_237, %dma_start3A_262] : memref<98304x16xf32, #tpu.memory_space<hbm>> -> memref<64x16xf32, #tpu.memory_space<hbm>>
        %dma_start3A_264 = arith.constant 0 : i32
        %dma_start3A_265 = arith.constant 0 : i32
        %dma_start3A_266 = tpu.memref_slice %arg14[%run_scoped3A_238, %dma_start3A_264, %dma_start3A_265] : memref<6x64x16xf32, #tpu.memory_space<vmem>> -> memref<1x64x16xf32, #tpu.memory_space<vmem>>
        %dma_start3A_267 = tpu.memref_squeeze %dma_start3A_266 : memref<1x64x16xf32, #tpu.memory_space<vmem>> -> memref<64x16xf32, #tpu.memory_space<vmem>>
        tpu.enqueue_dma source(%dma_start3A_267 : memref<64x16xf32, #tpu.memory_space<vmem>>) target(%dma_start3A_263 : memref<64x16xf32, #tpu.memory_space<hbm>>) target_semaphore(%run_scoped3A_255 : memref<!tpu.dma_semaphore, #tpu.memory_space<semaphore_mem>>)
        %dma_wait3A_268 = arith.constant 0 : i32
        %dma_wait3A_269 = arith.constant 0 : i32
        %dma_wait3A_270 = tpu.memref_slice %arg14[%run_scoped3A_238, %dma_wait3A_268, %dma_wait3A_269] : memref<6x64x16xf32, #tpu.memory_space<vmem>> -> memref<1x64x16xf32, #tpu.memory_space<vmem>>
        %dma_wait3A_271 = tpu.memref_squeeze %dma_wait3A_270 : memref<1x64x16xf32, #tpu.memory_space<vmem>> -> memref<64x16xf32, #tpu.memory_space<vmem>>
        %dma_wait3A_272 = arith.constant 0 : i32
        %dma_wait3A_273 = tpu.memref_slice %arg7[%multiple_of3A_237, %dma_wait3A_272] : memref<98304x16xf32, #tpu.memory_space<hbm>> -> memref<64x16xf32, #tpu.memory_space<hbm>>
        %dma_wait3A_274 = arith.constant 0 : i32
        %dma_wait3A_275 = tpu.memref_slice %arg7[%multiple_of3A_237, %dma_wait3A_274] : memref<98304x16xf32, #tpu.memory_space<hbm>> -> memref<64x16xf32, #tpu.memory_space<hbm>>
        %dma_wait3A_276 = arith.constant 0 : i32
        %dma_wait3A_277 = arith.constant 0 : i32
        %dma_wait3A_278 = tpu.memref_slice %arg14[%run_scoped3A_238, %dma_wait3A_276, %dma_wait3A_277] : memref<6x64x16xf32, #tpu.memory_space<vmem>> -> memref<1x64x16xf32, #tpu.memory_space<vmem>>
        %dma_wait3A_279 = tpu.memref_squeeze %dma_wait3A_278 : memref<1x64x16xf32, #tpu.memory_space<vmem>> -> memref<64x16xf32, #tpu.memory_space<vmem>>
        tpu.wait_dma2 semaphore(%run_scoped3A_255 : memref<!tpu.dma_semaphore, #tpu.memory_space<semaphore_mem>>) src(%dma_wait3A_279 : memref<64x16xf32, #tpu.memory_space<vmem>>) dst(%dma_wait3A_275 : memref<64x16xf32, #tpu.memory_space<hbm>>)
        tpu.yield
      }) : () -> ()
      %add3A_239 = arith.constant 32768 : i32
      %add3A_240 = arith.addi %add3A_239, %add3A_17 : i32
      %multiple_of3A_241 = tpu.assume_multiple %add3A_240, 8 : i32
      %run_scoped3A_242 = arith.constant 2 : i32
      "tpu.region"() ({
        %run_scoped3A_255 = tpu.sem_alloc : memref<!tpu.dma_semaphore, #tpu.memory_space<semaphore_mem>>
        %dma_start3A_256 = arith.constant 0 : i32
        %dma_start3A_257 = arith.constant 0 : i32
        %dma_start3A_258 = tpu.memref_slice %arg14[%run_scoped3A_242, %dma_start3A_256, %dma_start3A_257] : memref<6x64x16xf32, #tpu.memory_space<vmem>> -> memref<1x64x16xf32, #tpu.memory_space<vmem>>
        %dma_start3A_259 = tpu.memref_squeeze %dma_start3A_258 : memref<1x64x16xf32, #tpu.memory_space<vmem>> -> memref<64x16xf32, #tpu.memory_space<vmem>>
        %dma_start3A_260 = arith.constant 0 : i32
        %dma_start3A_261 = tpu.memref_slice %arg7[%multiple_of3A_241, %dma_start3A_260] : memref<98304x16xf32, #tpu.memory_space<hbm>> -> memref<64x16xf32, #tpu.memory_space<hbm>>
        %dma_start3A_262 = arith.constant 0 : i32
        %dma_start3A_263 = tpu.memref_slice %arg7[%multiple_of3A_241, %dma_start3A_262] : memref<98304x16xf32, #tpu.memory_space<hbm>> -> memref<64x16xf32, #tpu.memory_space<hbm>>
        %dma_start3A_264 = arith.constant 0 : i32
        %dma_start3A_265 = arith.constant 0 : i32
        %dma_start3A_266 = tpu.memref_slice %arg14[%run_scoped3A_242, %dma_start3A_264, %dma_start3A_265] : memref<6x64x16xf32, #tpu.memory_space<vmem>> -> memref<1x64x16xf32, #tpu.memory_space<vmem>>
        %dma_start3A_267 = tpu.memref_squeeze %dma_start3A_266 : memref<1x64x16xf32, #tpu.memory_space<vmem>> -> memref<64x16xf32, #tpu.memory_space<vmem>>
        tpu.enqueue_dma source(%dma_start3A_267 : memref<64x16xf32, #tpu.memory_space<vmem>>) target(%dma_start3A_263 : memref<64x16xf32, #tpu.memory_space<hbm>>) target_semaphore(%run_scoped3A_255 : memref<!tpu.dma_semaphore, #tpu.memory_space<semaphore_mem>>)
        %dma_wait3A_268 = arith.constant 0 : i32
        %dma_wait3A_269 = arith.constant 0 : i32
        %dma_wait3A_270 = tpu.memref_slice %arg14[%run_scoped3A_242, %dma_wait3A_268, %dma_wait3A_269] : memref<6x64x16xf32, #tpu.memory_space<vmem>> -> memref<1x64x16xf32, #tpu.memory_space<vmem>>
        %dma_wait3A_271 = tpu.memref_squeeze %dma_wait3A_270 : memref<1x64x16xf32, #tpu.memory_space<vmem>> -> memref<64x16xf32, #tpu.memory_space<vmem>>
        %dma_wait3A_272 = arith.constant 0 : i32
        %dma_wait3A_273 = tpu.memref_slice %arg7[%multiple_of3A_241, %dma_wait3A_272] : memref<98304x16xf32, #tpu.memory_space<hbm>> -> memref<64x16xf32, #tpu.memory_space<hbm>>
        %dma_wait3A_274 = arith.constant 0 : i32
        %dma_wait3A_275 = tpu.memref_slice %arg7[%multiple_of3A_241, %dma_wait3A_274] : memref<98304x16xf32, #tpu.memory_space<hbm>> -> memref<64x16xf32, #tpu.memory_space<hbm>>
        %dma_wait3A_276 = arith.constant 0 : i32
        %dma_wait3A_277 = arith.constant 0 : i32
        %dma_wait3A_278 = tpu.memref_slice %arg14[%run_scoped3A_242, %dma_wait3A_276, %dma_wait3A_277] : memref<6x64x16xf32, #tpu.memory_space<vmem>> -> memref<1x64x16xf32, #tpu.memory_space<vmem>>
        %dma_wait3A_279 = tpu.memref_squeeze %dma_wait3A_278 : memref<1x64x16xf32, #tpu.memory_space<vmem>> -> memref<64x16xf32, #tpu.memory_space<vmem>>
        tpu.wait_dma2 semaphore(%run_scoped3A_255 : memref<!tpu.dma_semaphore, #tpu.memory_space<semaphore_mem>>) src(%dma_wait3A_279 : memref<64x16xf32, #tpu.memory_space<vmem>>) dst(%dma_wait3A_275 : memref<64x16xf32, #tpu.memory_space<hbm>>)
        tpu.yield
      }) : () -> ()
      %add3A_243 = arith.constant 49152 : i32
      %add3A_244 = arith.addi %add3A_243, %add3A_17 : i32
      %multiple_of3A_245 = tpu.assume_multiple %add3A_244, 8 : i32
      %run_scoped3A_246 = arith.constant 3 : i32
      "tpu.region"() ({
        %run_scoped3A_255 = tpu.sem_alloc : memref<!tpu.dma_semaphore, #tpu.memory_space<semaphore_mem>>
        %dma_start3A_256 = arith.constant 0 : i32
        %dma_start3A_257 = arith.constant 0 : i32
        %dma_start3A_258 = tpu.memref_slice %arg14[%run_scoped3A_246, %dma_start3A_256, %dma_start3A_257] : memref<6x64x16xf32, #tpu.memory_space<vmem>> -> memref<1x64x16xf32, #tpu.memory_space<vmem>>
        %dma_start3A_259 = tpu.memref_squeeze %dma_start3A_258 : memref<1x64x16xf32, #tpu.memory_space<vmem>> -> memref<64x16xf32, #tpu.memory_space<vmem>>
        %dma_start3A_260 = arith.constant 0 : i32
        %dma_start3A_261 = tpu.memref_slice %arg7[%multiple_of3A_245, %dma_start3A_260] : memref<98304x16xf32, #tpu.memory_space<hbm>> -> memref<64x16xf32, #tpu.memory_space<hbm>>
        %dma_start3A_262 = arith.constant 0 : i32
        %dma_start3A_263 = tpu.memref_slice %arg7[%multiple_of3A_245, %dma_start3A_262] : memref<98304x16xf32, #tpu.memory_space<hbm>> -> memref<64x16xf32, #tpu.memory_space<hbm>>
        %dma_start3A_264 = arith.constant 0 : i32
        %dma_start3A_265 = arith.constant 0 : i32
        %dma_start3A_266 = tpu.memref_slice %arg14[%run_scoped3A_246, %dma_start3A_264, %dma_start3A_265] : memref<6x64x16xf32, #tpu.memory_space<vmem>> -> memref<1x64x16xf32, #tpu.memory_space<vmem>>
        %dma_start3A_267 = tpu.memref_squeeze %dma_start3A_266 : memref<1x64x16xf32, #tpu.memory_space<vmem>> -> memref<64x16xf32, #tpu.memory_space<vmem>>
        tpu.enqueue_dma source(%dma_start3A_267 : memref<64x16xf32, #tpu.memory_space<vmem>>) target(%dma_start3A_263 : memref<64x16xf32, #tpu.memory_space<hbm>>) target_semaphore(%run_scoped3A_255 : memref<!tpu.dma_semaphore, #tpu.memory_space<semaphore_mem>>)
        %dma_wait3A_268 = arith.constant 0 : i32
        %dma_wait3A_269 = arith.constant 0 : i32
        %dma_wait3A_270 = tpu.memref_slice %arg14[%run_scoped3A_246, %dma_wait3A_268, %dma_wait3A_269] : memref<6x64x16xf32, #tpu.memory_space<vmem>> -> memref<1x64x16xf32, #tpu.memory_space<vmem>>
        %dma_wait3A_271 = tpu.memref_squeeze %dma_wait3A_270 : memref<1x64x16xf32, #tpu.memory_space<vmem>> -> memref<64x16xf32, #tpu.memory_space<vmem>>
        %dma_wait3A_272 = arith.constant 0 : i32
        %dma_wait3A_273 = tpu.memref_slice %arg7[%multiple_of3A_245, %dma_wait3A_272] : memref<98304x16xf32, #tpu.memory_space<hbm>> -> memref<64x16xf32, #tpu.memory_space<hbm>>
        %dma_wait3A_274 = arith.constant 0 : i32
        %dma_wait3A_275 = tpu.memref_slice %arg7[%multiple_of3A_245, %dma_wait3A_274] : memref<98304x16xf32, #tpu.memory_space<hbm>> -> memref<64x16xf32, #tpu.memory_space<hbm>>
        %dma_wait3A_276 = arith.constant 0 : i32
        %dma_wait3A_277 = arith.constant 0 : i32
        %dma_wait3A_278 = tpu.memref_slice %arg14[%run_scoped3A_246, %dma_wait3A_276, %dma_wait3A_277] : memref<6x64x16xf32, #tpu.memory_space<vmem>> -> memref<1x64x16xf32, #tpu.memory_space<vmem>>
        %dma_wait3A_279 = tpu.memref_squeeze %dma_wait3A_278 : memref<1x64x16xf32, #tpu.memory_space<vmem>> -> memref<64x16xf32, #tpu.memory_space<vmem>>
        tpu.wait_dma2 semaphore(%run_scoped3A_255 : memref<!tpu.dma_semaphore, #tpu.memory_space<semaphore_mem>>) src(%dma_wait3A_279 : memref<64x16xf32, #tpu.memory_space<vmem>>) dst(%dma_wait3A_275 : memref<64x16xf32, #tpu.memory_space<hbm>>)
        tpu.yield
      }) : () -> ()
      %add3A_247 = arith.constant 65536 : i32
      %add3A_248 = arith.addi %add3A_247, %add3A_17 : i32
      %multiple_of3A_249 = tpu.assume_multiple %add3A_248, 8 : i32
      %run_scoped3A_250 = arith.constant 4 : i32
      "tpu.region"() ({
        %run_scoped3A_255 = tpu.sem_alloc : memref<!tpu.dma_semaphore, #tpu.memory_space<semaphore_mem>>
        %dma_start3A_256 = arith.constant 0 : i32
        %dma_start3A_257 = arith.constant 0 : i32
        %dma_start3A_258 = tpu.memref_slice %arg14[%run_scoped3A_250, %dma_start3A_256, %dma_start3A_257] : memref<6x64x16xf32, #tpu.memory_space<vmem>> -> memref<1x64x16xf32, #tpu.memory_space<vmem>>
        %dma_start3A_259 = tpu.memref_squeeze %dma_start3A_258 : memref<1x64x16xf32, #tpu.memory_space<vmem>> -> memref<64x16xf32, #tpu.memory_space<vmem>>
        %dma_start3A_260 = arith.constant 0 : i32
        %dma_start3A_261 = tpu.memref_slice %arg7[%multiple_of3A_249, %dma_start3A_260] : memref<98304x16xf32, #tpu.memory_space<hbm>> -> memref<64x16xf32, #tpu.memory_space<hbm>>
        %dma_start3A_262 = arith.constant 0 : i32
        %dma_start3A_263 = tpu.memref_slice %arg7[%multiple_of3A_249, %dma_start3A_262] : memref<98304x16xf32, #tpu.memory_space<hbm>> -> memref<64x16xf32, #tpu.memory_space<hbm>>
        %dma_start3A_264 = arith.constant 0 : i32
        %dma_start3A_265 = arith.constant 0 : i32
        %dma_start3A_266 = tpu.memref_slice %arg14[%run_scoped3A_250, %dma_start3A_264, %dma_start3A_265] : memref<6x64x16xf32, #tpu.memory_space<vmem>> -> memref<1x64x16xf32, #tpu.memory_space<vmem>>
        %dma_start3A_267 = tpu.memref_squeeze %dma_start3A_266 : memref<1x64x16xf32, #tpu.memory_space<vmem>> -> memref<64x16xf32, #tpu.memory_space<vmem>>
        tpu.enqueue_dma source(%dma_start3A_267 : memref<64x16xf32, #tpu.memory_space<vmem>>) target(%dma_start3A_263 : memref<64x16xf32, #tpu.memory_space<hbm>>) target_semaphore(%run_scoped3A_255 : memref<!tpu.dma_semaphore, #tpu.memory_space<semaphore_mem>>)
        %dma_wait3A_268 = arith.constant 0 : i32
        %dma_wait3A_269 = arith.constant 0 : i32
        %dma_wait3A_270 = tpu.memref_slice %arg14[%run_scoped3A_250, %dma_wait3A_268, %dma_wait3A_269] : memref<6x64x16xf32, #tpu.memory_space<vmem>> -> memref<1x64x16xf32, #tpu.memory_space<vmem>>
        %dma_wait3A_271 = tpu.memref_squeeze %dma_wait3A_270 : memref<1x64x16xf32, #tpu.memory_space<vmem>> -> memref<64x16xf32, #tpu.memory_space<vmem>>
        %dma_wait3A_272 = arith.constant 0 : i32
        %dma_wait3A_273 = tpu.memref_slice %arg7[%multiple_of3A_249, %dma_wait3A_272] : memref<98304x16xf32, #tpu.memory_space<hbm>> -> memref<64x16xf32, #tpu.memory_space<hbm>>
        %dma_wait3A_274 = arith.constant 0 : i32
        %dma_wait3A_275 = tpu.memref_slice %arg7[%multiple_of3A_249, %dma_wait3A_274] : memref<98304x16xf32, #tpu.memory_space<hbm>> -> memref<64x16xf32, #tpu.memory_space<hbm>>
        %dma_wait3A_276 = arith.constant 0 : i32
        %dma_wait3A_277 = arith.constant 0 : i32
        %dma_wait3A_278 = tpu.memref_slice %arg14[%run_scoped3A_250, %dma_wait3A_276, %dma_wait3A_277] : memref<6x64x16xf32, #tpu.memory_space<vmem>> -> memref<1x64x16xf32, #tpu.memory_space<vmem>>
        %dma_wait3A_279 = tpu.memref_squeeze %dma_wait3A_278 : memref<1x64x16xf32, #tpu.memory_space<vmem>> -> memref<64x16xf32, #tpu.memory_space<vmem>>
        tpu.wait_dma2 semaphore(%run_scoped3A_255 : memref<!tpu.dma_semaphore, #tpu.memory_space<semaphore_mem>>) src(%dma_wait3A_279 : memref<64x16xf32, #tpu.memory_space<vmem>>) dst(%dma_wait3A_275 : memref<64x16xf32, #tpu.memory_space<hbm>>)
        tpu.yield
      }) : () -> ()
      %add3A_251 = arith.constant 81920 : i32
      %add3A_252 = arith.addi %add3A_251, %add3A_17 : i32
      %multiple_of3A_253 = tpu.assume_multiple %add3A_252, 8 : i32
      %run_scoped3A_254 = arith.constant 5 : i32
      "tpu.region"() ({
        %run_scoped3A_255 = tpu.sem_alloc : memref<!tpu.dma_semaphore, #tpu.memory_space<semaphore_mem>>
        %dma_start3A_256 = arith.constant 0 : i32
        %dma_start3A_257 = arith.constant 0 : i32
        %dma_start3A_258 = tpu.memref_slice %arg14[%run_scoped3A_254, %dma_start3A_256, %dma_start3A_257] : memref<6x64x16xf32, #tpu.memory_space<vmem>> -> memref<1x64x16xf32, #tpu.memory_space<vmem>>
        %dma_start3A_259 = tpu.memref_squeeze %dma_start3A_258 : memref<1x64x16xf32, #tpu.memory_space<vmem>> -> memref<64x16xf32, #tpu.memory_space<vmem>>
        %dma_start3A_260 = arith.constant 0 : i32
        %dma_start3A_261 = tpu.memref_slice %arg7[%multiple_of3A_253, %dma_start3A_260] : memref<98304x16xf32, #tpu.memory_space<hbm>> -> memref<64x16xf32, #tpu.memory_space<hbm>>
        %dma_start3A_262 = arith.constant 0 : i32
        %dma_start3A_263 = tpu.memref_slice %arg7[%multiple_of3A_253, %dma_start3A_262] : memref<98304x16xf32, #tpu.memory_space<hbm>> -> memref<64x16xf32, #tpu.memory_space<hbm>>
        %dma_start3A_264 = arith.constant 0 : i32
        %dma_start3A_265 = arith.constant 0 : i32
        %dma_start3A_266 = tpu.memref_slice %arg14[%run_scoped3A_254, %dma_start3A_264, %dma_start3A_265] : memref<6x64x16xf32, #tpu.memory_space<vmem>> -> memref<1x64x16xf32, #tpu.memory_space<vmem>>
        %dma_start3A_267 = tpu.memref_squeeze %dma_start3A_266 : memref<1x64x16xf32, #tpu.memory_space<vmem>> -> memref<64x16xf32, #tpu.memory_space<vmem>>
        tpu.enqueue_dma source(%dma_start3A_267 : memref<64x16xf32, #tpu.memory_space<vmem>>) target(%dma_start3A_263 : memref<64x16xf32, #tpu.memory_space<hbm>>) target_semaphore(%run_scoped3A_255 : memref<!tpu.dma_semaphore, #tpu.memory_space<semaphore_mem>>)
        %dma_wait3A_268 = arith.constant 0 : i32
        %dma_wait3A_269 = arith.constant 0 : i32
        %dma_wait3A_270 = tpu.memref_slice %arg14[%run_scoped3A_254, %dma_wait3A_268, %dma_wait3A_269] : memref<6x64x16xf32, #tpu.memory_space<vmem>> -> memref<1x64x16xf32, #tpu.memory_space<vmem>>
        %dma_wait3A_271 = tpu.memref_squeeze %dma_wait3A_270 : memref<1x64x16xf32, #tpu.memory_space<vmem>> -> memref<64x16xf32, #tpu.memory_space<vmem>>
        %dma_wait3A_272 = arith.constant 0 : i32
        %dma_wait3A_273 = tpu.memref_slice %arg7[%multiple_of3A_253, %dma_wait3A_272] : memref<98304x16xf32, #tpu.memory_space<hbm>> -> memref<64x16xf32, #tpu.memory_space<hbm>>
        %dma_wait3A_274 = arith.constant 0 : i32
        %dma_wait3A_275 = tpu.memref_slice %arg7[%multiple_of3A_253, %dma_wait3A_274] : memref<98304x16xf32, #tpu.memory_space<hbm>> -> memref<64x16xf32, #tpu.memory_space<hbm>>
        %dma_wait3A_276 = arith.constant 0 : i32
        %dma_wait3A_277 = arith.constant 0 : i32
        %dma_wait3A_278 = tpu.memref_slice %arg14[%run_scoped3A_254, %dma_wait3A_276, %dma_wait3A_277] : memref<6x64x16xf32, #tpu.memory_space<vmem>> -> memref<1x64x16xf32, #tpu.memory_space<vmem>>
        %dma_wait3A_279 = tpu.memref_squeeze %dma_wait3A_278 : memref<1x64x16xf32, #tpu.memory_space<vmem>> -> memref<64x16xf32, #tpu.memory_space<vmem>>
        tpu.wait_dma2 semaphore(%run_scoped3A_255 : memref<!tpu.dma_semaphore, #tpu.memory_space<semaphore_mem>>) src(%dma_wait3A_279 : memref<64x16xf32, #tpu.memory_space<vmem>>) dst(%dma_wait3A_275 : memref<64x16xf32, #tpu.memory_space<hbm>>)
        tpu.yield
      }) : () -> ()
    }
    %scan3A_13 = arith.constant 8 : i32
    return
  }
}

module attributes {stable_mosaic.version = 14 : i64} {
  func.func @_loss_tc_body(%arg0: memref<6144x256xf32, #tpu.memory_space<vmem>>, %arg1: memref<1024x16xf32, #tpu.memory_space<vmem>>, %arg2: memref<1x1xf32, #tpu.memory_space<vmem>>) attributes {dimension_semantics = [], scalar_prefetch = 0 : i64, scratch_operands = 0 : i64, tpu.core_type = #tpu.core_type<tc>} {
    %get3A = arith.constant 0 : index
    %get3A_0 = arith.constant 0 : index
    %get3A_1 = vector.load %arg0[%get3A, %get3A_0] : memref<6144x256xf32, #tpu.memory_space<vmem>>, vector<6144x256xf32>
    %iota3A = tpu.iota {dimensions = array<i32: 0>} : vector<256x16xi32>
    %jit3A = arith.constant 16 : i32
    %div3A = vector.broadcast %jit3A : i32 to vector<256x16xi32>
    %div3A_2 = arith.divsi %iota3A, %div3A : vector<256x16xi32>
    %sign3A = arith.constant 0 : i32
    %sign3A_3 = vector.broadcast %sign3A : i32 to vector<256x16xi32>
    %sign3A_4 = arith.cmpi sgt, %iota3A, %sign3A_3 : vector<256x16xi32>
    %sign3A_5 = arith.extui %sign3A_4 : vector<256x16xi1> to vector<256x16xi32>
    %sign3A_6 = arith.constant 0 : i32
    %sign3A_7 = vector.broadcast %sign3A_6 : i32 to vector<256x16xi32>
    %sign3A_8 = arith.cmpi slt, %iota3A, %sign3A_7 : vector<256x16xi32>
    %sign3A_9 = arith.extui %sign3A_8 : vector<256x16xi1> to vector<256x16xi32>
    %sign3A_10 = arith.subi %sign3A_5, %sign3A_9 : vector<256x16xi32>
    %sign3A_11 = arith.constant 0 : i32
    %sign3A_12 = arith.cmpi sgt, %jit3A, %sign3A_11 : i32
    %sign3A_13 = arith.extui %sign3A_12 : i1 to i32
    %sign3A_14 = arith.constant 0 : i32
    %sign3A_15 = arith.cmpi slt, %jit3A, %sign3A_14 : i32
    %sign3A_16 = arith.extui %sign3A_15 : i1 to i32
    %sign3A_17 = arith.subi %sign3A_13, %sign3A_16 : i32
    %ne3A = vector.broadcast %sign3A_17 : i32 to vector<256x16xi32>
    %ne3A_18 = arith.cmpi ne, %sign3A_10, %ne3A : vector<256x16xi32>
    %rem3A = vector.broadcast %jit3A : i32 to vector<256x16xi32>
    %rem3A_19 = arith.remsi %iota3A, %rem3A : vector<256x16xi32>
    %ne3A_20 = arith.constant 0 : i32
    %ne3A_21 = vector.broadcast %ne3A_20 : i32 to vector<256x16xi32>
    %ne3A_22 = arith.cmpi ne, %rem3A_19, %ne3A_21 : vector<256x16xi32>
    %and3A = arith.andi %ne3A_18, %ne3A_22 : vector<256x16xi1>
    %sub3A = arith.constant 1 : i32
    %sub3A_23 = vector.broadcast %sub3A : i32 to vector<256x16xi32>
    %sub3A_24 = arith.subi %div3A_2, %sub3A_23 : vector<256x16xi32>
    %select_n3A = arith.select %and3A, %sub3A_24, %div3A_2 : vector<256x16xi1>, vector<256x16xi32>
    %iota3A_25 = tpu.iota {dimensions = array<i32: 1>} : vector<256x16xi32>
    %eq3A = arith.cmpi eq, %select_n3A, %iota3A_25 : vector<256x16xi32>
    %convert_element_type3A = arith.extui %eq3A : vector<256x16xi1> to vector<256x16xi32>
    %convert_element_type3A_26 = arith.sitofp %convert_element_type3A : vector<256x16xi32> to vector<256x16xf32>
    %dot_general3A = arith.constant dense<0.000000e+00> : vector<6144x16xf32>
    %dot_general3A_27 = tpu.matmul %get3A_1, %convert_element_type3A_26, %dot_general3A {dimension_numbers = #tpu.dot_dimension_numbers<[1], [0], [0], [1], [0, 0, 1, 1], [], []>, transpose_lhs_hint = false} : vector<6144x256xf32>, vector<256x16xf32>, vector<6144x16xf32> -> vector<6144x16xf32>
    %reshape3A = vector.shape_cast %dot_general3A_27 : vector<6144x16xf32> to vector<6x1024x16xf32>
    %get3A_28 = arith.constant 0 : index
    %get3A_29 = arith.constant 0 : index
    %get3A_30 = vector.load %arg1[%get3A_28, %get3A_29] : memref<1024x16xf32, #tpu.memory_space<vmem>>, vector<1024x16xf32>
    %broadcast_in_dim3A = vector.shape_cast %get3A_30 : vector<1024x16xf32> to vector<1x1024x16xf32>
    %div3A_31 = vector.broadcast %broadcast_in_dim3A : vector<1x1024x16xf32> to vector<6x1024x16xf32>
    %div3A_32 = arith.divf %reshape3A, %div3A_31 : vector<6x1024x16xf32>
    %iota3A_33 = tpu.iota {dimensions = array<i32: 0>} : vector<6x1024x16xi32>
    %eq3A_34 = arith.constant 0 : i32
    %eq3A_35 = vector.broadcast %eq3A_34 : i32 to vector<6x1024x16xi32>
    %eq3A_36 = arith.cmpi eq, %iota3A_33, %eq3A_35 : vector<6x1024x16xi32>
    %jit3A_37 = arith.constant 1.000000e+00 : f32
    %jit3A_38 = arith.constant -1.000000e+00 : f32
    %broadcast_in_dim3A_39 = vector.broadcast %jit3A_37 : f32 to vector<6x1024x16xf32>
    %broadcast_in_dim3A_40 = vector.broadcast %jit3A_38 : f32 to vector<6x1024x16xf32>
    %select_n3A_41 = arith.select %eq3A_36, %broadcast_in_dim3A_39, %broadcast_in_dim3A_40 : vector<6x1024x16xi1>, vector<6x1024x16xf32>
    %jit3A_42 = arith.constant -1.000000e+01 : f32
    %jit3A_43 = arith.constant 1.000000e+01 : f32
    %max3A = vector.broadcast %jit3A_42 : f32 to vector<6x1024x16xf32>
    %max3A_44 = arith.maximumf %max3A, %div3A_32 : vector<6x1024x16xf32>
    %min3A = vector.broadcast %jit3A_43 : f32 to vector<6x1024x16xf32>
    %min3A_45 = arith.minimumf %min3A, %max3A_44 : vector<6x1024x16xf32>
    %mul3A = arith.mulf %select_n3A_41, %min3A_45 : vector<6x1024x16xf32>
    %neg3A = arith.constant 0.000000e+00 : f32
    %neg3A_46 = vector.broadcast %neg3A : f32 to vector<6x1024x16xf32>
    %neg3A_47 = arith.subf %neg3A_46, %mul3A : vector<6x1024x16xf32>
    %custom_jvp_call3A = arith.constant 0.000000e+00 : f32
    %max3A_48 = vector.broadcast %custom_jvp_call3A : f32 to vector<6x1024x16xf32>
    %max3A_49 = arith.maximumf %neg3A_47, %max3A_48 : vector<6x1024x16xf32>
    %sub3A_50 = vector.broadcast %custom_jvp_call3A : f32 to vector<6x1024x16xf32>
    %sub3A_51 = arith.subf %neg3A_47, %sub3A_50 : vector<6x1024x16xf32>
    %ne3A_52 = arith.cmpf one, %sub3A_51, %sub3A_51 : vector<6x1024x16xf32>
    %add3A = vector.broadcast %custom_jvp_call3A : f32 to vector<6x1024x16xf32>
    %add3A_53 = arith.addf %neg3A_47, %add3A : vector<6x1024x16xf32>
    %abs3A = math.absf %sub3A_51 : vector<6x1024x16xf32>
    %neg3A_54 = arith.constant 0.000000e+00 : f32
    %neg3A_55 = vector.broadcast %neg3A_54 : f32 to vector<6x1024x16xf32>
    %neg3A_56 = arith.subf %neg3A_55, %abs3A : vector<6x1024x16xf32>
    %exp3A = math.exp %neg3A_56 : vector<6x1024x16xf32>
    %log1p3A = math.log1p %exp3A : vector<6x1024x16xf32>
    %add3A_57 = arith.addf %max3A_49, %log1p3A : vector<6x1024x16xf32>
    %select_n3A_58 = arith.select %ne3A_52, %add3A_53, %add3A_57 : vector<6x1024x16xi1>, vector<6x1024x16xf32>
    %neg3A_59 = arith.constant 0.000000e+00 : f32
    %neg3A_60 = vector.broadcast %neg3A_59 : f32 to vector<6x1024x16xf32>
    %neg3A_61 = arith.subf %neg3A_60, %select_n3A_58 : vector<6x1024x16xf32>
    %neg3A_62 = arith.constant 0.000000e+00 : f32
    %neg3A_63 = vector.broadcast %neg3A_62 : f32 to vector<6x1024x16xf32>
    %neg3A_64 = arith.subf %neg3A_63, %neg3A_61 : vector<6x1024x16xf32>
    %reduce_sum3A = vector.shape_cast %neg3A_64 : vector<6x1024x16xf32> to vector<1x6x1024x16xf32>
    %reduce_sum3A_65 = arith.constant dense<0.000000e+00> : vector<1xf32>
    %reduce_sum3A_66 = vector.multi_reduction <add>, %reduce_sum3A, %reduce_sum3A_65 [1, 2, 3] : vector<1x6x1024x16xf32> to vector<1xf32>
    %reduce_sum3A_67 = vector.shape_cast %reduce_sum3A_66 : vector<1xf32> to vector<1x1x1x1xf32>
    %reduce_sum3A_68 = vector.extract %reduce_sum3A_67[0, 0, 0, 0] : f32 from vector<1x1x1x1xf32>
    %broadcast_in_dim3A_69 = vector.broadcast %reduce_sum3A_68 : f32 to vector<1x1xf32>
    %swap3A = arith.constant 0 : index
    %swap3A_70 = arith.constant 0 : index
    %swap3A_71 = vector.load %arg2[%swap3A, %swap3A_70] : memref<1x1xf32, #tpu.memory_space<vmem>>, vector<1x1xf32>
    tpu.vector_store %arg2[%swap3A, %swap3A_70], %broadcast_in_dim3A_69 {strides = array<i32>} : memref<1x1xf32, #tpu.memory_space<vmem>>, vector<1x1xf32>,
    return
  }
}

</mosaic_0001>

<sc_bundles>
// kernel: _cbow.4.cloned.1.call-start
scs
__scs_entry_jumppad:
0x0: {  	(pc) =	sbr.rel $0x88, $3  }
0x1: {  	(tag) =	ssettag $0x0;
	lr =	simm.s32 $0x1  }
0x2: {  	[smem:$0x3F9B] =	sst lr;
	_ =	strace $0xD0000000  }
0x3: {  	_ = 	snop  }
0x4: {  	_ = 	snop  }
0x5: {  	_ = 	snop  }
0x6: {  	_ = 	snop  }
0x7: {  	_ = 	snop  }
__scs_overlays_trampoline_lowered:
0x8: {  	[smem:$0x3FAA] =	sst s0  }
0x9: {  	[smem:$0x3FAB] =	sst s1  }
0xa: {  	[smem:$0x3FAC] =	sst s2  }
0xb: {  	[smem:$0x3FAD] =	sst s3  }
0xc: {  	[smem:$0x3FAE] =	sst s4  }
0xd: {  	[smem:$0x3FAF] =	sst s5  }
0xe: {  	[smem:$0x3FB0] =	sst s6  }
0xf: {  	[smem:$0x3FB1] =	sst s7  }
0x10: {  	[smem:$0x3FB2] =	sst s8  }
0x11: {  	[smem:$0x3FB3] =	sst s9;
	s0 =	simm.s32 @!p0 $0x0  }
0x12: {  	s1 =	sld [smem:$0x3F99];
	s0 =	simm.s32 @p0 $0x1  }
0x13: {  	[smem:$0x3FB4] =	sst s0;
	s0 =	simm.s32 @!p1 $0x0  }
0x14: {  	s2 =	sld [smem:$0x3F98];
	s0 =	simm.s32 @p1 $0x1  }
0x15: {  	[smem:$0x3FB5] =	sst s0;
	s0 =	simm.s32 @!p2 $0x0  }
0x16: {  	s3 =	sld [smem:$0x3FDB];
	s0 =	simm.s32 @p2 $0x1  }
0x17: {  	s4 =	simm.s32 $0x1BF5;
	[smem:$0x3FB7] =	sst s0  }
0x18: {  	s0 =	sld [smem:$0x3F9A];
	_ =	swait.ge [sflag:s4], $0x0  }
0x19: {  	s7 =	sld [smem:$0x3F9B]  }
0x1a: {  	s8 =	sadd.s32 $0xFFFFE003, lr  }
0x1b: {  	s9 =	sadd.s32 $0xFFFFFEF7, lr;
	s5 =	simm.s32 $0xFFFFFFFF;
	p2 =	slt.u32 s8, $0xFFFFF086  }
0x1c: {  	p1 =	slt.u32 s9, $0xF7A;
	s5 =	simm.s32 @!p2 $0x0  }
0x1d: {  	s5 =	simm.s32 @p1 $0x1;
	p0 =	seq.s32 s7, s2  }
0x1e: {  	s7 =	smul.u32 @!p0 $0xF7A, s2;
	p2 =	seq.s32 @!p0 s5, $0x0  }
0x1f: {  	s9 =	smul.u32 $0xF7A, s1;
	s8 =	simm.s32 @!p0 $0x1BF5;
	p2 =	por !p2, p0  }
0x20: {  	[sflag:s8] =	ssyncset.s32 @!p0 $0xFFFFF086;
	s6 =	sadd.s32 @!p0 s3, s7;
	s7 =	simm.s32 @!p0 $0x108  }
0x21: {  	s3 =	sadd.s32 s3, s9;
	s6 =	sadd.s32 @!p0 $0x88, s6;
	s7 =	simm.s32 @p2 $0x1082  }
0x22: {  	[simem:s7], [sflag:s8] =	dma.local @!p0 [hbm:s6], $0xF7A  }
0x23: {  	s9 =	sor.u32 $0xD0000000, s2;
	s6 =	simm.s32 $0x108;
	_ =	swait.ge @!p0 [sflag:s8], $0x0  }
0x24: {  	s3 =	sadd.s32 $0x88, s3;
	s6 =	simm.s32 @!p1 $0x1082;
	[sflag:s4] =	ssyncset.s32 $0xFFFFF086  }
0x25: {  	[simem:s6], [sflag:s4] =	dma.local [hbm:s3], $0xF7A  }
0x26: {  	[smem:$0x3F9B] =	sst s1;
	(tag) =	ssettag s2;
	_ =	strace s9  }
0x27: {  	s1 =	sld [smem:$0x3FAB]  }
0x28: {  	s2 =	sld [smem:$0x3FAC]  }
0x29: {  	s4 =	sld [smem:$0x3FAE]  }
0x2a: {  	p0 =	seq.s32 s5, $0x0;
	s5 =	sld [smem:$0x3FAF]  }
0x2b: {  	s6 =	sld [smem:$0x3FB0]  }
0x2c: {  	s7 =	sld [smem:$0x3FB1]  }
0x2d: {  	s3 =	simm.s32 $0x108;
	s8 =	sld [smem:$0x3FB2]  }
0x2e: {  	s3 =	simm.s32 @!p0 $0x1082;
	s9 =	sld [smem:$0x3FB3]  }
0x2f: {  	lr =	sadd.s32 s0, s3;
	s0 =	sld [smem:$0x3FAA]  }
0x30: {  	s3 =	sld [smem:$0x3FAD]  }
0x31: {  	[smem:$0x3FB6] =	sst s10  }
0x32: {  	s10 =	sld [smem:$0x3FB4];
	_ =	sdelay $0x3  }
0x33: {  	p0 =	seq.s32 s10, $0x1;
	s10 =	sld [smem:$0x3FB6];
	_ =	sdelay $0x3  }
0x34: {  	[smem:$0x3FB6] =	sst s10  }
0x35: {  	s10 =	sld [smem:$0x3FB5];
	_ =	sdelay $0x3  }
0x36: {  	p1 =	seq.s32 s10, $0x1;
	s10 =	sld [smem:$0x3FB6];
	_ =	sdelay $0x3  }
0x37: {  	[smem:$0x3FB6] =	sst s10  }
0x38: {  	s10 =	sld [smem:$0x3FB7]  }
0x39: {  	_ = 	snop;
	(pc) =	sbr.ind lr, $3  }
0x3a: {  	_ = 	snop  }
0x3b: {  	_ = 	snop  }
0x3c: {  	p2 =	seq.s32 s10, $0x1;
	s10 =	sld [smem:$0x3FB6]  }
0x3d: {  	_ =	shalt  }
0x3e: {  	_ =	shalt  }
0x3f: {  	_ =	shalt  }
0x40: {  	_ =	shalt  }
0x41: {  	_ =	shalt  }
0x42: {  	_ =	shalt  }
0x43: {  	_ =	shalt  }
0x44: {  	_ =	shalt  }
0x45: {  	_ =	shalt  }
0x46: {  	_ =	shalt  }
0x47: {  	_ =	shalt  }
0x48: {  	_ =	shalt  }
0x49: {  	_ =	shalt  }
0x4a: {  	_ =	shalt  }
0x4b: {  	_ =	shalt  }
0x4c: {  	_ =	shalt  }
0x4d: {  	_ =	shalt  }
0x4e: {  	_ =	shalt  }
0x4f: {  	_ =	shalt  }
0x50: {  	_ =	shalt  }
0x51: {  	_ =	shalt  }
0x52: {  	_ =	shalt  }
0x53: {  	_ =	shalt  }
0x54: {  	_ =	shalt  }
0x55: {  	_ =	shalt  }
0x56: {  	_ =	shalt  }
0x57: {  	_ =	shalt  }
0x58: {  	_ =	shalt  }
0x59: {  	_ =	shalt  }
0x5a: {  	_ =	shalt  }
0x5b: {  	_ =	shalt  }
0x5c: {  	_ =	shalt  }
0x5d: {  	_ =	shalt  }
0x5e: {  	_ =	shalt  }
0x5f: {  	_ =	shalt  }
0x60: {  	_ =	shalt  }
0x61: {  	_ =	shalt  }
0x62: {  	_ =	shalt  }
0x63: {  	_ =	shalt  }
0x64: {  	_ =	shalt  }
0x65: {  	_ =	shalt  }
0x66: {  	_ =	shalt  }
0x67: {  	_ =	shalt  }
0x68: {  	_ =	shalt  }
0x69: {  	_ =	shalt  }
0x6a: {  	_ =	shalt  }
0x6b: {  	_ =	shalt  }
0x6c: {  	_ =	shalt  }
0x6d: {  	_ =	shalt  }
0x6e: {  	_ =	shalt  }
0x6f: {  	_ =	shalt  }
0x70: {  	_ =	shalt  }
0x71: {  	_ =	shalt  }
0x72: {  	_ =	shalt  }
0x73: {  	_ =	shalt  }
0x74: {  	_ =	shalt  }
0x75: {  	_ =	shalt  }
0x76: {  	_ =	shalt  }
0x77: {  	_ =	shalt  }
0x78: {  	_ =	shalt  }
0x79: {  	_ =	shalt  }
0x7a: {  	_ =	shalt  }
0x7b: {  	_ =	shalt  }
0x7c: {  	_ =	shalt  }
0x7d: {  	_ =	shalt  }
0x7e: {  	_ =	shalt  }
0x7f: {  	_ =	shalt  }
0x80: {  	_ =	shalt  }
0x81: {  	_ =	shalt  }
0x82: {  	_ =	shalt  }
0x83: {  	_ =	shalt  }
0x84: {  	_ =	shalt  }
0x85: {  	_ =	shalt  }
0x86: {  	_ =	shalt  }
0x87: {  	_ =	shalt  }
.Lfunc_end0:
.L_simem_size_0:
called_computation_lowered:
.L_overlay_start_0:
0x88: {  	s2 =	sld [smem:$0x3FD9]  }
0x89: {  	s3 =	sld [smem:$0x3FFE];
	_ =	sdelay $0x1  }
0x8a: {  	s1 =	srdreg.scid  }
0x8b: {  	s0 =	sand.u32 $0x1, s1  }
0x8c: {  	s17 =	sshll.u32 s0, $0xA;
	s2 =	sadd.s32 s3, s2  }
0x8d: {  	s2 =	sadd.s32 s2, s17  }
0x8e: {  	[smem:$0x3FC2] =	sst s2  }
0x8f: {  	_ = 	snop  }
0x90: {  	s2 =	sld [smem:$0x3FC9]  }
0x91: {  	s18 =	sld [smem:$0x3FC8]  }
0x92: {  	s4 =	sld [smem:$0x3FC7];
	(tm) =	ssettm $0x1  }
0x93: {  	s5 =	sld [smem:$0x3FFB];
	_ =	sdelay $0x3  }
0x94: {  	_ =	strace s5  }
0x95: {  	s5 =	sld [smem:$0x3FFC];
	_ =	sdelay $0x3  }
0x96: {  	_ =	strace s5  }
0x97: {  	s5 =	sld [smem:$0x3FFD];
	_ =	sdelay $0x3  }
0x98: {  	_ =	strace s5  }
0x99: {  	_ =	strace $0x8FFFFFFF  }
0x9a: {  	s19 =	sld [smem:$0x3FDB];
	_ =	sdelay $0x1  }
0x9b: {  	s6 =	simm.s32 $_scs_section_size  }
0x9c: {  	s7 =	simm.s32 $_size__tile_overlayer_lowered;
	s8 =	simm.s32 $_tile_overlayer_lowered  }
0x9d: {  	s22 =	simm.s32 $0x1BFF;
	s21 =	sshll.u32 s8, $0x1;
	s5 =	sadd.s32 s6, s19  }
0x9e: {  	s9 =	simm.s32 $0x0;
	s20 =	sshll.u32 s7, $0x1;
	s7 =	sadd.s32 s21, s5  }
0x9f: {  	[timem:s9], [sflag:s22] =	dma.local [hbm:s7], s20  }
0xa0: {  	_ =	swait.ge [sflag:s22], s20  }
0xa1: {  	s6 =	ssub.s32 $0x0, s20;
	[sflag:s22] =	ssyncset.done $0x0  }
0xa2: {  	[sflag:s22] =	ssyncadd.s32 s6;
	_ =	sdelay $0x1  }
0xa3: {  	s23 =	simm.s32 $0x1B8B  }
0xa4: {  	_ =	swait.ge [sflag:s23], $0x1  }
0xa5: {  	[sflag:s23] =	ssyncset.done $0x0  }
0xa6: {  	s25 =	simm.s32 $0x1B8E;
	s24 =	sld [smem:$0x3FFE];
	[sflag:s23] =	ssyncadd.s32 $0xFFFFFFFF  }
0xa7: {  	s26 =	simm.s32 $execute0_lowered;
	[smem:$0x3FD2] =	sst s25  }
0xa8: {  	s7 =	sshll.u32 s26, $0x1;
	_ =	strace $0x80000046;
	[dreg:$0x1] =	wrdreg $0xFFFFFFFF  }
0xa9: {  	s28 =	simm.s32 $_size_execute0_lowered;
	s5 =	sadd.s32 s5, s7;
	[dreg:$0x0] =	wrdreg $0x0  }
0xaa: {  	s7 =	sshll.u32 s28, $0x1;
	[dreg:$0x2] =	wrdreg s5  }
0xab: {  	[dreg:$0x3] =	wrdreg s7  }
0xac: {  	[dreg:$0x4] =	wrdreg $0xC0  }
0xad: {  	_ =	task [dreg:s9], $0x5FFFF  }
0xae: {  	[dreg:$0x1] =	wrdreg $0xFFFFFFFF  }
0xaf: {  	[dreg:$0x0] =	wrdreg $0x60  }
0xb0: {  	[dreg:$0x2] =	wrdreg s2  }
0xb1: {  	[dreg:$0x3] =	wrdreg s18  }
0xb2: {  	[dreg:$0x4] =	wrdreg s4  }
0xb3: {  	[dreg:$0x5] =	wrdreg s24  }
0xb4: {  	[dreg:$0x6] =	wrdreg $0x9  }
0xb5: {  	_ =	task.clear_ibuf [dreg:s9], $0x7FFFF;
	_ =	strace $0x90000046  }
0xb6: {  	s29 =	simm.s32 $0x9;
	_ =	strace $0x80000048  }
0xb7: {  	_ =	swait.ge [sflag:s29], $0x1  }
0xb8: {  	[sflag:s29] =	ssyncadd.s32 $0xFFFFFFFF  }
0xb9: {  	_ =	strace $0x90000048  }
0xba: {  	_ =	sfence  }
0xbb: {  	s30 =	sld [smem:$0x0];
	_ =	sdelay $0x2  }
0xbc: {  	s31 =	sshll.u32 s1, $0xD;
	s1 =	sshrl.u32 s1, $0x2  }
0xbd: {  	s3 =	sand.u32 $0x4000, s31;
	s1 =	sadd.s32 s1, s30  }
0xbe: {  	s0 =	sor.u32 s3, s0;
	s1 =	sshll.u32 s1, $0x11  }
0xbf: {  	s0 =	sor.u32 s1, s0  }
0xc0: {  	s0 =	sadd.s32 $0x8F2B, s0  }
0xc1: {  	[sflag:s0] =	ssyncadd.remote.s32 $0x1  }
0xc2: {  	_ =	sfence.sel $0xFFFF  }
0xc3: {  	[dreg:$0x0] =	wrdreg $0xFFFFFFFF;
	(pc) =	sbr.abs _section_cstart, $3  }
0xc4: {  	[dreg:$0x1] =	wrdreg $0xFFFFFFFF  }
0xc5: {  	_ =	task.clear_ibuf [dreg:s9], $0x2FFFF;
	_ =	strace $0x9FFFFFFF  }
0xc6: {  	(tm) =	ssettm $0x7FFFFFFF  }
0xc7: {  	_ =	shalt  }
tec
execute0_lowered:
.L_overlay_start_1:
0x0: {  	(tag) =	ssettag $0x1  }
0x1: {  	s0 =	rddreg [dreg:$0x0]  }
0x2: {  	s1 =	rddreg [dreg:$0x1]  }
0x3: {  	s6 =	rddreg [dreg:$0x2]  }
0x4: {  	s7 =	rddreg [dreg:$0x3];
	s2 =	simm.s32 $0x0  }
0x5: {  	s3 =	srdreg.scid;
	s4 =	stileid.u32;
	s16 =	simm.s32 $0x2  }
0x6: {  	s19 =	simm.s32 $0x80;
	s25 =	simm.s32 $0x40;
	s29 =	simm.s32 $0xE000  }
0x7: {  	s30 =	simm.s32 $0xF000;
	s31 =	simm.s32 $0x10000;
	s17 =	simm.s32 $0x12000  }
0x8: {  	s18 =	simm.s32 $0x12400;
	s21 =	simm.s32 $0x0;
	[smem:$0x7FF] =	sst s2  }
0x9: {  	s5 =	sand.u32 $0x1, s3;
	s4 =	sshll.u32 s4, $0x1;
	s3 =	sadd.s32 $0x188E00, s7  }
0xa: {  	s13 =	sadd.s32 $0x22200, s7;
	s14 =	sadd.s32 $0x2A200, s7;
	_ =	strace $0x80000047  }
0xb: {  	s8 =	sor.u32 s5, s4;
	s4 =	sadd.s32 $0x24C400, s7;
	s9 =	ssub.s32 $0x2, s5  }
0xc: {  	s5 =	sadd.s32 $0x2200, s7;
	s10 =	smul.u32 $0x280, s8;
	s11 =	sshrl.u32 s9, $0x1  }
0xd: {  	s12 =	smul.u32 $0x140, s8;
	s26 =	sshll.u32 s8, $0x6;
	s15 =	ssub.s32 s9, s11  }
0xe: {  	s9 =	sshll.u32 s8, $0xA;
	s11 =	sadd.s32 $0x12200, s7;
	s8 =	simm.s32 $0x13000  }
0xf: {  	s0 =	sadd.s32 s0, s10;
	s6 =	sadd.s32 s6, s12;
	s10 =	sadd.s32 $0xA200, s7  }
0x10: {  	s12 =	sadd.s32 $0x1A200, s7;
	s28 =	smax.u32 s15, $0x1;
	[dreg:$0x5] =	wrdreg s0  }
0x11: {  	s7 =	simm.s32 $0x12C00;
	s15 =	simm.s32 $0x13400;
	[dreg:$0x6] =	wrdreg s6  }
0x12: {  	s0 =	sadd.s32 s1, s26;
	[dreg:$0x8] =	wrdreg s28;
	s1 =	simm.s32 $0x1  }
0x13: {  	s6 =	simm.s32 $0x12800;
	[dreg:$0x7] =	wrdreg s0;
	s0 =	simm.s32 $0x11000  }
.LBB2_1:
0x14: {  	[dreg:$0x9] =	wrdreg s21  }
0x15: {  	s20 =	rddreg [dreg:$0x5]  }
0x16: {  	[tilespmem:s2], [sflag:$0x2] =	stream.linear.gather [hbm4b:s20+s2], $0x1400, $0x38;
	[tilespmem:$0x13800] =	vst v63  }
0x17: {  	_ =	swait.ge [sflag:s16], $0x1400  }
0x18: {  	[sflag:s16] =	ssyncset.done $0x0  }
0x19: {  	s24 =	simm.s32 $0x1400;
	s23 =	rddreg [dreg:$0x6];
	[sflag:s16] =	ssyncadd.s32 $0xFFFFEC00  }
0x1a: {  	[tilespmem:s24], [sflag:$0x2] =	stream.linear.gather [hbm4b:s23+s2], $0xA00, $0x38;
	[tilespmem:$0x13800] =	vst v63  }
0x1b: {  	_ =	swait.ge [sflag:s16], $0xA00  }
0x1c: {  	[sflag:s16] =	ssyncset.done $0x0  }
0x1d: {  	s28 =	simm.s32 $0x1E00;
	s26 =	rddreg [dreg:$0x7];
	[sflag:s16] =	ssyncadd.s32 $0xFFFFF600  }
0x1e: {  	[tilespmem:s28], [sflag:$0x2] =	stream.linear.gather [hbm4b:s26+s2], $0x200, $0x38;
	[tilespmem:$0x13800] =	vst v63  }
0x1f: {  	_ =	swait.ge [sflag:s16], $0x200  }
0x20: {  	[sflag:s16] =	ssyncset.done $0x0  }
0x21: {  	s20 =	simm.s32 $0x0;
	[sflag:s16] =	ssyncadd.s32 $0xFFFFFE00  }
.LBB2_2:
0x22: {  	s21 =	smul.u32 $0xA00, s20;
	_ =	sdelay $0x1  }
0x23: {  	s22 =	simm.s32 $0x2000;
	s21 =	sshra.s32 s21, $0x2  }
0x24: {  	[tilespmem:s22], [sflag:$0x1] =	stream.indirect.gather [hbm4b:s3+s19], $0x40, s21, s19, $0xb8;
	[tilespmem:$0x13800] =	vst v63  }
0x25: {  	s23 =	simm.s32 $0x4000;
	s24 =	sadd.s32 $0x80, s21  }
0x26: {  	[tilespmem:s23], [sflag:$0x1] =	stream.indirect.gather [hbm4b:s3+s19], $0x40, s24, s19, $0xb8;
	[tilespmem:$0x13800] =	vst v63  }
0x27: {  	s28 =	simm.s32 $0x6000;
	s26 =	sadd.s32 $0x100, s21  }
0x28: {  	[tilespmem:s28], [sflag:$0x1] =	stream.indirect.gather [hbm4b:s3+s19], $0x40, s26, s19, $0xb8;
	[tilespmem:$0x13800] =	vst v63  }
0x29: {  	s24 =	sadd.s32 $0x180, s21;
	s26 =	simm.s32 $0x8000  }
0x2a: {  	[tilespmem:s26], [sflag:$0x1] =	stream.indirect.gather [hbm4b:s3+s19], $0x40, s24, s19, $0xb8;
	[tilespmem:$0x13800] =	vst v63  }
0x2b: {  	s21 =	sadd.s32 $0x200, s21;
	s23 =	sshll.u32 s20, $0x6;
	s28 =	simm.s32 $0xA000  }
0x2c: {  	[tilespmem:s28], [sflag:$0x1] =	stream.indirect.gather [hbm4b:s3+s19], $0x40, s21, s19, $0xb8;
	[tilespmem:$0x13800] =	vst v63  }
0x2d: {  	s21 =	sand.u32 $0x3FFFFFC0, s23  }
0x2e: {  	s24 =	smul.u32 $0x500, s20;
	s26 =	simm.s32 $0xC000;
	s21 =	sadd.s32 $0x1E00, s21  }
0x2f: {  	[tilespmem:s26], [sflag:$0x1] =	stream.indirect.gather [hbm4b:s4+s25], $0x40, s21, s25, $0xb8;
	[tilespmem:$0x13800] =	vst v63  }
0x30: {  	s21 =	sshra.s32 s24, $0x2  }
0x31: {  	s28 =	simm.s32 $0xD000;
	s22 =	sadd.s32 $0x1400, s21  }
0x32: {  	[tilespmem:s28], [sflag:$0x1] =	stream.indirect.gather [hbm4b:s4+s25], $0x40, s22, s25, $0xb8;
	[tilespmem:$0x13800] =	vst v63  }
0x33: {  	s23 =	sadd.s32 $0x1440, s21  }
0x34: {  	[tilespmem:s29], [sflag:$0x1] =	stream.indirect.gather [hbm4b:s4+s25], $0x40, s23, s25, $0xb8;
	[tilespmem:$0x13800] =	vst v63  }
0x35: {  	s24 =	sadd.s32 $0x1480, s21  }
0x36: {  	[tilespmem:s30], [sflag:$0x1] =	stream.indirect.gather [hbm4b:s4+s25], $0x40, s24, s25, $0xb8;
	[tilespmem:$0x13800] =	vst v63  }
0x37: {  	s26 =	sadd.s32 $0x14C0, s21  }
0x38: {  	[tilespmem:s31], [sflag:$0x1] =	stream.indirect.gather [hbm4b:s4+s25], $0x40, s26, s25, $0xb8;
	[tilespmem:$0x13800] =	vst v63  }
0x39: {  	s21 =	sadd.s32 $0x1500, s21  }
0x3a: {  	[tilespmem:s0], [sflag:$0x1] =	stream.indirect.gather [hbm4b:s4+s25], $0x40, s21, s25, $0xb8;
	[tilespmem:$0x13800] =	vst v63  }
0x3b: {  	_ =	swait.ge [sflag:s1], $0x2000  }
0x3c: {  	[sflag:s1] =	ssyncset.done $0x0  }
0x3d: {  	[sflag:s1] =	ssyncadd.s32 $0xFFFFE000  }
0x3e: {  	_ =	swait.ge [sflag:s1], $0x2000  }
0x3f: {  	[sflag:s1] =	ssyncset.done $0x0  }
0x40: {  	[sflag:s1] =	ssyncadd.s32 $0xFFFFE000  }
0x41: {  	_ =	swait.ge [sflag:s1], $0x2000  }
0x42: {  	[sflag:s1] =	ssyncset.done $0x0  }
0x43: {  	[sflag:s1] =	ssyncadd.s32 $0xFFFFE000  }
0x44: {  	_ =	swait.ge [sflag:s1], $0x2000  }
0x45: {  	[sflag:s1] =	ssyncset.done $0x0  }
0x46: {  	[sflag:s1] =	ssyncadd.s32 $0xFFFFE000  }
0x47: {  	_ =	swait.ge [sflag:s1], $0x2000  }
0x48: {  	[sflag:s1] =	ssyncset.done $0x0  }
0x49: {  	[sflag:s1] =	ssyncadd.s32 $0xFFFFE000  }
0x4a: {  	_ =	swait.ge [sflag:s1], $0x1000  }
0x4b: {  	[sflag:s1] =	ssyncset.done $0x0  }
0x4c: {  	[sflag:s1] =	ssyncadd.s32 $0xFFFFF000  }
0x4d: {  	_ =	swait.ge [sflag:s1], $0x1000  }
0x4e: {  	[sflag:s1] =	ssyncset.done $0x0  }
0x4f: {  	[sflag:s1] =	ssyncadd.s32 $0xFFFFF000  }
0x50: {  	_ =	swait.ge [sflag:s1], $0x1000  }
0x51: {  	[sflag:s1] =	ssyncset.done $0x0  }
0x52: {  	[sflag:s1] =	ssyncadd.s32 $0xFFFFF000  }
0x53: {  	_ =	swait.ge [sflag:s1], $0x1000  }
0x54: {  	[sflag:s1] =	ssyncset.done $0x0  }
0x55: {  	[sflag:s1] =	ssyncadd.s32 $0xFFFFF000  }
0x56: {  	_ =	swait.ge [sflag:s1], $0x1000  }
0x57: {  	[sflag:s1] =	ssyncset.done $0x0  }
0x58: {  	[sflag:s1] =	ssyncadd.s32 $0xFFFFF000  }
0x59: {  	_ =	swait.ge [sflag:s1], $0x1000  }
0x5a: {  	[sflag:s1] =	ssyncset.done $0x0  }
0x5b: {  	s21 =	simm.s32 $0x2140;
	[sflag:s1] =	ssyncadd.s32 $0xFFFFF000  }
0x5c: {  	v0 =	vld [tilespmem:s21+$0x70]  }
0x5d: {  	v1 =	vld [tilespmem:s21+$0xFFFFFFC0]  }
0x5e: {  	v2 =	vld [tilespmem:s21+$0xFFFFFFD0]  }
0x5f: {  	v3 =	vld [tilespmem:s21+$0xFFFFFF80]  }
0x60: {  	v4 =	vld [tilespmem:s21+$0xFFFFFF90]  }
0x61: {  	v5 =	vld [tilespmem:s21+$0xFFFFFF40]  }
0x62: {  	v6 =	vld [tilespmem:s21+$0xFFFFFF50]  }
0x63: {  	v7 =	vld [tilespmem:s21+$0xFFFFFF00]  }
0x64: {  	v8 =	vld [tilespmem:s21+$0xFFFFFED0]  }
0x65: {  	v9 =	vld [tilespmem:s21+$0xFFFFFF10]  }
0x66: {  	v10 =	vld [tilespmem:s21+$0xFFFFFEC0]  }
0x67: {  	v11 =	vld [tilespmem:s21+$0xFFFFFEE0]  }
0x68: {  	v12 =	vld [tilespmem:s21+$0xFFFFFF20]  }
0x69: {  	v13 =	vld [tilespmem:s21+$0xFFFFFF60]  }
0x6a: {  	v14 =	vld [tilespmem:s21+$0xFFFFFEF0]  }
0x6b: {  	v15 =	vld [tilespmem:s21+$0xFFFFFF30]  }
0x6c: {  	v16 =	vld [tilespmem:s21+$0xFFFFFF70]  }
0x6d: {  	v17 =	vld [tilespmem:s21+$0xFFFFFFB0]  }
0x6e: {  	v18 =	vld [tilespmem:s21+$0xFFFFFFF0]  }
0x6f: {  	v19 =	vld [tilespmem:s21+$0xFFFFFFE0]  }
0x70: {  	v20 =	vld [tilespmem:s21+$0xFFFFFFA0]  }
0x71: {  	v21 =	vld [tilespmem:s21+$0x30]  }
0x72: {  	v22 =	vld [tilespmem:s21+$0x20]  }
0x73: {  	v23 =	vld [tilespmem:s21+$0xF0]  }
0x74: {  	v24 =	vld [tilespmem:s21+$0x60]  }
0x75: {  	v25 =	vld [tilespmem:s21+$0xB0]  }
0x76: {  	v26 =	vld [tilespmem:s21+$0xA0]  }
0x77: {  	s28 =	simm.s32 $0x0;
	v53 =	vld [tilespmem:s21+$0xE0];
	v8 =	vadd.f32 v9, v8;
	v7 =	vadd.f32 v7, v10  }
0x78: {  	v55 =	vld [tilespmem:s28+$0xC010];
	v54 =	vadd.f32 v12, v11  }
0x79: {  	v57 =	vld [tilespmem:s21+$0x0];
	v6 =	vadd.f32 v6, v8;
	v5 =	vadd.f32 v5, v7  }
0x7a: {  	v56 =	vadd.f32 v15, v14;
	v7 =	vld [tilespmem:s21+$0x10];
	v10 =	vadd.f32 v13, v54  }
0x7b: {  	v59 =	vld [tilespmem:s21+$0x40];
	v4 =	vadd.f32 v4, v6;
	v3 =	vadd.f32 v3, v5  }
0x7c: {  	v5 =	vld [tilespmem:s21+$0x50];
	v6 =	vadd.f32 v16, v56;
	v58 =	vadd.f32 v20, v10  }
0x7d: {  	v60 =	vld [tilespmem:s21+$0x80];
	v2 =	vadd.f32 v2, v4;
	v1 =	vadd.f32 v1, v3  }
0x7e: {  	v3 =	vld [tilespmem:s21+$0x90];
	v4 =	vadd.f32 v17, v6;
	v6 =	vadd.f32 v19, v58  }
0x7f: {  	v61 =	vld [tilespmem:s21+$0xC0];
	v2 =	vadd.f32 v7, v2;
	v1 =	vadd.f32 v57, v1  }
0x80: {  	v7 =	vld [tilespmem:s21+$0xD0];
	v4 =	vadd.f32 v18, v4;
	v6 =	vadd.f32 v22, v6  }
0x81: {  	v62 =	vld [tilespmem:s21+$0x100];
	v2 =	vadd.f32 v5, v2;
	v1 =	vadd.f32 v59, v1  }
0x82: {  	v5 =	vld [tilespmem:s21+$0x110];
	v4 =	vadd.f32 v21, v4;
	v6 =	vadd.f32 v24, v6  }
0x83: {  	v2 =	vadd.f32 v3, v2;
	v1 =	vadd.f32 v60, v1;
	v3 =	vld [tilespmem:s28+$0xC000]  }
0x84: {  	v0 =	vadd.f32 v0, v4;
	v4 =	vadd.f32 v26, v6;
	v6 =	vld [tilespmem:s21+$0x120]  }
0x85: {  	v63 =	vld [tilespmem:s21+$0x130];
	v2 =	vadd.f32 v7, v2;
	v1 =	vadd.f32 v61, v1  }
0x86: {  	v7 =	vld [tilespmem:s28+$0xC020];
	v0 =	vadd.f32 v25, v0;
	v4 =	vadd.f32 v53, v4  }
0x87: {  	v1 =	vadd.f32 v62, v1;
	v2 =	vadd.f32 v5, v2  }
0x88: {  	v0 =	vadd.f32 v23, v0;
	v5 =	vld [tilespmem:s28+$0xC030]  }
0x89: {  	v6 =	vadd.f32 v6, v4;
	v3 =	vmul.f32 v3, v1;
	v4 =	vmul.f32 v55, v2;
	_ =	sdelay $0x1  }
0x8a: {  	v0 =	vadd.f32 v63, v0;
	v3 =	vadd.f32 v4, v3;
	v4 =	vmul.f32 v7, v6;
	_ =	sdelay $0x1  }
0x8b: {  	v3 =	vadd.f32 v4, v3;
	v4 =	vmul.f32 v5, v0;
	_ =	sdelay $0x1  }
0x8c: {  	v3 =	vadd.f32 v4, v3  }
0x8d: {  	s22 =	simm.s32 $0x12C00  }
0x8e: {  	s23 =	simm.s32 $0xD0A0;
	[tilespmem:s22+$0xFFFFF400] =	vst v3  }
0x8f: {  	v3 =	vld [tilespmem:s23+$0xFFFFFF60]  }
0x90: {  	v4 =	vld [tilespmem:s23+$0xFFFFFF70];
	_ =	sdelay $0x1  }
0x91: {  	v5 =	vld [tilespmem:s23+$0xFFFFFF80];
	_ =	sdelay $0x1  }
0x92: {  	v7 =	vld [tilespmem:s23+$0xFFFFFF90]  }
0x93: {  	v3 =	vmul.f32 v3, v1;
	v4 =	vmul.f32 v4, v2;
	_ =	sdelay $0x1  }
0x94: {  	v3 =	vadd.f32 v4, v3;
	v4 =	vmul.f32 v5, v6;
	_ =	sdelay $0x1  }
0x95: {  	v3 =	vadd.f32 v4, v3;
	v4 =	vmul.f32 v7, v0;
	_ =	sdelay $0x1  }
0x96: {  	v3 =	vadd.f32 v4, v3;
	_ =	sdelay $0x1  }
0x97: {  	[tilespmem:s22+$0xFFFFF800] =	vst v3  }
0x98: {  	v3 =	vld [tilespmem:s23+$0xFFFFFFA0]  }
0x99: {  	v4 =	vld [tilespmem:s23+$0xFFFFFFB0];
	_ =	sdelay $0x1  }
0x9a: {  	v5 =	vld [tilespmem:s23+$0xFFFFFFC0];
	_ =	sdelay $0x1  }
0x9b: {  	v7 =	vld [tilespmem:s23+$0xFFFFFFD0]  }
0x9c: {  	v3 =	vmul.f32 v3, v1;
	v4 =	vmul.f32 v4, v2;
	_ =	sdelay $0x1  }
0x9d: {  	v3 =	vadd.f32 v4, v3;
	v4 =	vmul.f32 v5, v6;
	_ =	sdelay $0x1  }
0x9e: {  	v3 =	vadd.f32 v4, v3;
	v4 =	vmul.f32 v7, v0;
	_ =	sdelay $0x1  }
0x9f: {  	v3 =	vadd.f32 v4, v3;
	_ =	sdelay $0x1  }
0xa0: {  	[tilespmem:s22+$0xFFFFFC00] =	vst v3  }
0xa1: {  	v3 =	vld [tilespmem:s23+$0xFFFFFFE0]  }
0xa2: {  	v4 =	vld [tilespmem:s23+$0xFFFFFFF0];
	_ =	sdelay $0x1  }
0xa3: {  	v5 =	vld [tilespmem:s23+$0x0];
	_ =	sdelay $0x1  }
0xa4: {  	v7 =	vld [tilespmem:s23+$0x10]  }
0xa5: {  	v3 =	vmul.f32 v3, v1;
	v4 =	vmul.f32 v4, v2;
	_ =	sdelay $0x1  }
0xa6: {  	v3 =	vadd.f32 v4, v3;
	v4 =	vmul.f32 v5, v6;
	_ =	sdelay $0x1  }
0xa7: {  	v3 =	vadd.f32 v4, v3;
	v4 =	vmul.f32 v7, v0;
	_ =	sdelay $0x1  }
0xa8: {  	v3 =	vadd.f32 v4, v3;
	_ =	sdelay $0x1  }
0xa9: {  	[tilespmem:s22+$0x0] =	vst v3  }
0xaa: {  	v3 =	vld [tilespmem:s23+$0x20]  }
0xab: {  	v4 =	vld [tilespmem:s23+$0x30];
	_ =	sdelay $0x1  }
0xac: {  	v5 =	vld [tilespmem:s23+$0x40];
	_ =	sdelay $0x1  }
0xad: {  	v7 =	vld [tilespmem:s23+$0x50]  }
0xae: {  	v3 =	vmul.f32 v3, v1;
	v4 =	vmul.f32 v4, v2;
	_ =	sdelay $0x1  }
0xaf: {  	v5 =	vmul.f32 v5, v6;
	v3 =	vadd.f32 v4, v3;
	_ =	sdelay $0x1  }
0xb0: {  	v4 =	vmul.f32 v7, v0;
	v3 =	vadd.f32 v5, v3;
	_ =	sdelay $0x1  }
0xb1: {  	v3 =	vadd.f32 v4, v3;
	_ =	sdelay $0x1  }
0xb2: {  	[tilespmem:s22+$0x400] =	vst v3  }
0xb3: {  	v3 =	vld [tilespmem:s23+$0x70]  }
0xb4: {  	v4 =	vld [tilespmem:s23+$0x60];
	_ =	sdelay $0x2  }
0xb5: {  	v5 =	vld [tilespmem:s23+$0x80];
	_ =	sdelay $0x1  }
0xb6: {  	v2 =	vmul.f32 v3, v2;
	v3 =	vmul.f32 v4, v1;
	v4 =	vld [tilespmem:s23+$0x90];
	_ =	sdelay $0x2  }
0xb7: {  	s24 =	simm.s32 $0x12C00;
	s26 =	simm.s32 $0x100;
	v1 =	vmul.f32 v5, v6;
	v2 =	vadd.f32 v2, v3  }
.LBB2_3:
0xb8: {  	s23 =	sadd.s32 $0x140, s23;
	s22 =	sadd.s32 $0x10, s22;
	s21 =	sadd.s32 $0x280, s21  }
0xb9: {  	p0 =	sne.s32 s26, $0x3F00;
	v0 =	vmul.f32 v4, v0;
	s28 =	smov.u32 s26;
	s26 =	sadd.s32 $0x100, s26;
	v1 =	vadd.f32 v1, v2  }
0xba: {  	_ = 	snop  }
0xbb: {  	v0 =	vadd.f32 v0, v1;
	_ =	sdelay $0x1  }
0xbc: {  	[tilespmem:s24+$0x800] =	vst v0;
	s24 =	smov.u32 s22  }
0xbd: {  	s28 =	sshra.s32 s28, $0x2;
	v0 =	vld [tilespmem:s21+$0x70]  }
0xbe: {  	v1 =	vld [tilespmem:s21+$0xFFFFFFC0]  }
0xbf: {  	v2 =	vld [tilespmem:s21+$0xFFFFFFD0]  }
0xc0: {  	v3 =	vld [tilespmem:s21+$0xFFFFFF80]  }
0xc1: {  	v4 =	vld [tilespmem:s21+$0xFFFFFF90]  }
0xc2: {  	v5 =	vld [tilespmem:s21+$0xFFFFFF40]  }
0xc3: {  	v6 =	vld [tilespmem:s21+$0xFFFFFF50]  }
0xc4: {  	v7 =	vld [tilespmem:s21+$0xFFFFFF00]  }
0xc5: {  	v8 =	vld [tilespmem:s21+$0xFFFFFED0]  }
0xc6: {  	v9 =	vld [tilespmem:s21+$0xFFFFFF10]  }
0xc7: {  	v10 =	vld [tilespmem:s21+$0xFFFFFEC0]  }
0xc8: {  	v11 =	vld [tilespmem:s21+$0xFFFFFEE0]  }
0xc9: {  	v12 =	vld [tilespmem:s21+$0xFFFFFF20]  }
0xca: {  	v13 =	vld [tilespmem:s21+$0xFFFFFF60]  }
0xcb: {  	v14 =	vld [tilespmem:s21+$0xFFFFFEF0]  }
0xcc: {  	v15 =	vld [tilespmem:s21+$0xFFFFFF30]  }
0xcd: {  	v16 =	vld [tilespmem:s21+$0xFFFFFF70]  }
0xce: {  	v17 =	vld [tilespmem:s21+$0xFFFFFFB0]  }
0xcf: {  	v18 =	vld [tilespmem:s21+$0xFFFFFFF0]  }
0xd0: {  	v19 =	vld [tilespmem:s21+$0xFFFFFFE0]  }
0xd1: {  	v20 =	vld [tilespmem:s21+$0xFFFFFFA0];
	v14 =	vadd.f32 v15, v14  }
0xd2: {  	v15 =	vld [tilespmem:s21+$0x30]  }
0xd3: {  	v21 =	vld [tilespmem:s21+$0x20];
	v14 =	vadd.f32 v16, v14  }
0xd4: {  	v11 =	vadd.f32 v12, v11;
	v12 =	vld [tilespmem:s21+$0xF0]  }
0xd5: {  	v16 =	vld [tilespmem:s21+$0x60];
	v14 =	vadd.f32 v17, v14  }
0xd6: {  	v11 =	vadd.f32 v13, v11;
	v13 =	vld [tilespmem:s21+$0xB0]  }
0xd7: {  	v8 =	vadd.f32 v9, v8;
	v9 =	vld [tilespmem:s21+$0xA0];
	v14 =	vadd.f32 v18, v14  }
0xd8: {  	v7 =	vadd.f32 v7, v10;
	v10 =	vadd.f32 v20, v11;
	v11 =	vld [tilespmem:s21+$0xE0]  }
0xd9: {  	v6 =	vadd.f32 v6, v8;
	v8 =	vadd.f32 v15, v14;
	v14 =	vld [tilespmem:s28+$0xC010]  }
0xda: {  	v5 =	vadd.f32 v5, v7;
	v10 =	vadd.f32 v19, v10;
	v7 =	vld [tilespmem:s21+$0x10]  }
0xdb: {  	v4 =	vadd.f32 v4, v6;
	v15 =	vld [tilespmem:s21+$0x0]  }
0xdc: {  	v3 =	vadd.f32 v3, v5;
	v6 =	vadd.f32 v21, v10;
	v5 =	vld [tilespmem:s21+$0x50]  }
0xdd: {  	v2 =	vadd.f32 v2, v4;
	v10 =	vld [tilespmem:s21+$0x40]  }
0xde: {  	v1 =	vadd.f32 v1, v3;
	v4 =	vadd.f32 v16, v6;
	v3 =	vld [tilespmem:s21+$0x90]  }
0xdf: {  	v0 =	vadd.f32 v0, v8;
	v6 =	vld [tilespmem:s21+$0x80];
	v2 =	vadd.f32 v7, v2  }
0xe0: {  	v4 =	vadd.f32 v9, v4;
	v1 =	vadd.f32 v15, v1;
	v7 =	vld [tilespmem:s21+$0xD0]  }
0xe1: {  	v0 =	vadd.f32 v13, v0;
	v8 =	vld [tilespmem:s21+$0xC0];
	v2 =	vadd.f32 v5, v2  }
0xe2: {  	v4 =	vadd.f32 v11, v4;
	v1 =	vadd.f32 v10, v1;
	v5 =	vld [tilespmem:s21+$0x110]  }
0xe3: {  	v0 =	vadd.f32 v12, v0;
	v9 =	vld [tilespmem:s21+$0x100];
	v2 =	vadd.f32 v3, v2  }
0xe4: {  	v1 =	vadd.f32 v6, v1;
	v6 =	vld [tilespmem:s28+$0xC000]  }
0xe5: {  	v2 =	vadd.f32 v7, v2;
	v3 =	vld [tilespmem:s21+$0x120]  }
0xe6: {  	v1 =	vadd.f32 v8, v1;
	v7 =	vld [tilespmem:s28+$0xC020]  }
0xe7: {  	v8 =	vld [tilespmem:s21+$0x130]  }
0xe8: {  	v2 =	vadd.f32 v5, v2;
	v1 =	vadd.f32 v9, v1  }
0xe9: {  	v5 =	vld [tilespmem:s28+$0xC030]  }
0xea: {  	v3 =	vadd.f32 v3, v4;
	v4 =	vmul.f32 v6, v1;
	v6 =	vmul.f32 v14, v2;
	_ =	sdelay $0x1  }
0xeb: {  	v0 =	vadd.f32 v8, v0;
	v4 =	vadd.f32 v6, v4;
	v6 =	vmul.f32 v7, v3;
	_ =	sdelay $0x1  }
0xec: {  	v4 =	vadd.f32 v6, v4;
	v5 =	vmul.f32 v5, v0;
	_ =	sdelay $0x1  }
0xed: {  	v4 =	vadd.f32 v5, v4;
	_ =	sdelay $0x1  }
0xee: {  	[tilespmem:s22+$0xFFFFF400] =	vst v4  }
0xef: {  	v4 =	vld [tilespmem:s23+$0xFFFFFF60]  }
0xf0: {  	v5 =	vld [tilespmem:s23+$0xFFFFFF70];
	_ =	sdelay $0x1  }
0xf1: {  	v6 =	vld [tilespmem:s23+$0xFFFFFF80];
	_ =	sdelay $0x1  }
0xf2: {  	v4 =	vmul.f32 v4, v1;
	v7 =	vld [tilespmem:s23+$0xFFFFFF90]  }
0xf3: {  	v5 =	vmul.f32 v5, v2;
	_ =	sdelay $0x1  }
0xf4: {  	v4 =	vadd.f32 v5, v4;
	v5 =	vmul.f32 v6, v3;
	_ =	sdelay $0x1  }
0xf5: {  	v4 =	vadd.f32 v5, v4;
	v5 =	vmul.f32 v7, v0;
	_ =	sdelay $0x1  }
0xf6: {  	v4 =	vadd.f32 v5, v4;
	_ =	sdelay $0x1  }
0xf7: {  	[tilespmem:s22+$0xFFFFF800] =	vst v4  }
0xf8: {  	v4 =	vld [tilespmem:s23+$0xFFFFFFA0]  }
0xf9: {  	v5 =	vld [tilespmem:s23+$0xFFFFFFB0];
	_ =	sdelay $0x1  }
0xfa: {  	v6 =	vld [tilespmem:s23+$0xFFFFFFC0];
	_ =	sdelay $0x1  }
0xfb: {  	v4 =	vmul.f32 v4, v1;
	v7 =	vld [tilespmem:s23+$0xFFFFFFD0]  }
0xfc: {  	v5 =	vmul.f32 v5, v2;
	_ =	sdelay $0x1  }
0xfd: {  	v4 =	vadd.f32 v5, v4;
	v5 =	vmul.f32 v6, v3;
	_ =	sdelay $0x1  }
0xfe: {  	v4 =	vadd.f32 v5, v4;
	v5 =	vmul.f32 v7, v0;
	_ =	sdelay $0x1  }
0xff: {  	v4 =	vadd.f32 v5, v4;
	_ =	sdelay $0x1  }
0x100: {  	[tilespmem:s22+$0xFFFFFC00] =	vst v4  }
0x101: {  	v4 =	vld [tilespmem:s23+$0xFFFFFFE0]  }
0x102: {  	v5 =	vld [tilespmem:s23+$0xFFFFFFF0];
	_ =	sdelay $0x1  }
0x103: {  	v6 =	vld [tilespmem:s23+$0x0];
	_ =	sdelay $0x1  }
0x104: {  	v4 =	vmul.f32 v4, v1;
	v7 =	vld [tilespmem:s23+$0x10]  }
0x105: {  	v5 =	vmul.f32 v5, v2;
	_ =	sdelay $0x1  }
0x106: {  	v4 =	vadd.f32 v5, v4;
	v5 =	vmul.f32 v6, v3;
	_ =	sdelay $0x1  }
0x107: {  	v4 =	vadd.f32 v5, v4;
	v5 =	vmul.f32 v7, v0;
	_ =	sdelay $0x1  }
0x108: {  	v4 =	vadd.f32 v5, v4;
	_ =	sdelay $0x1  }
0x109: {  	[tilespmem:s22+$0x0] =	vst v4  }
0x10a: {  	v4 =	vld [tilespmem:s23+$0x20]  }
0x10b: {  	v5 =	vld [tilespmem:s23+$0x30]  }
0x10c: {  	v6 =	vld [tilespmem:s23+$0x40]  }
0x10d: {  	v7 =	vld [tilespmem:s23+$0x50];
	_ =	sdelay $0x1  }
0x10e: {  	v4 =	vmul.f32 v4, v1  }
0x10f: {  	v5 =	vmul.f32 v5, v2  }
0x110: {  	v6 =	vmul.f32 v6, v3  }
0x111: {  	v4 =	vadd.f32 v5, v4;
	_ =	sdelay $0x1  }
0x112: {  	v5 =	vmul.f32 v7, v0;
	v4 =	vadd.f32 v6, v4;
	_ =	sdelay $0x1  }
0x113: {  	v4 =	vadd.f32 v5, v4;
	_ =	sdelay $0x1  }
0x114: {  	[tilespmem:s22+$0x400] =	vst v4  }
0x115: {  	v5 =	vld [tilespmem:s23+$0x70]  }
0x116: {  	v6 =	vld [tilespmem:s23+$0x60]  }
0x117: {  	v7 =	vld [tilespmem:s23+$0x80]  }
0x118: {  	v4 =	vld [tilespmem:s23+$0x90]  }
.Ltmp0:
0x119: {  	(pc) =	sbr.rel @p0 .LBB2_3-.Ltmp0, $4  }
0x11a: {  	v2 =	vmul.f32 v5, v2  }
0x11b: {  	v5 =	vmul.f32 v6, v1  }
0x11c: {  	v1 =	vmul.f32 v7, v3  }
0x11d: {  	v2 =	vadd.f32 v2, v5  }
0x11e: {  	_ = 	snop  }
0x11f: {  	v0 =	vmul.f32 v4, v0;
	v1 =	vadd.f32 v1, v2;
	_ =	sdelay $0x1  }
0x120: {  	s21 =	sshll.u32 s20, $0x7;
	v0 =	vadd.f32 v0, v1  }
0x121: {  	s21 =	sadd.s32 s9, s21  }
0x122: {  	s22 =	sadd.s32 s5, s21;
	[tilespmem:s24+$0x800] =	vst v0  }
0x123: {  	[hbm4b:s22+s2] =	stream.linear.scatter [tilespmem:s17], [sflag:$0x2], $0x400, $0x38;
	[tilespmem:$0x13800] =	vst v63  }
0x124: {  	_ =	swait.ge [sflag:s16], $0x400  }
0x125: {  	[sflag:s16] =	ssyncset.done $0x0  }
0x126: {  	s23 =	sadd.s32 s21, s10;
	[sflag:s16] =	ssyncadd.s32 $0xFFFFFC00  }
0x127: {  	[hbm4b:s23+s2] =	stream.linear.scatter [tilespmem:s18], [sflag:$0x2], $0x400, $0x38;
	[tilespmem:$0x13800] =	vst v63  }
0x128: {  	_ =	swait.ge [sflag:s16], $0x400  }
0x129: {  	[sflag:s16] =	ssyncset.done $0x0  }
0x12a: {  	s24 =	sadd.s32 s21, s11;
	[sflag:s16] =	ssyncadd.s32 $0xFFFFFC00  }
0x12b: {  	[hbm4b:s24+s2] =	stream.linear.scatter [tilespmem:s6], [sflag:$0x2], $0x400, $0x38;
	[tilespmem:$0x13800] =	vst v63  }
0x12c: {  	_ =	swait.ge [sflag:s16], $0x400  }
0x12d: {  	[sflag:s16] =	ssyncset.done $0x0  }
0x12e: {  	s26 =	sadd.s32 s21, s12;
	[sflag:s16] =	ssyncadd.s32 $0xFFFFFC00  }
0x12f: {  	[hbm4b:s26+s2] =	stream.linear.scatter [tilespmem:s7], [sflag:$0x2], $0x400, $0x38;
	[tilespmem:$0x13800] =	vst v63  }
0x130: {  	_ =	swait.ge [sflag:s16], $0x400  }
0x131: {  	[sflag:s16] =	ssyncset.done $0x0  }
0x132: {  	s28 =	sadd.s32 s21, s13;
	[sflag:s16] =	ssyncadd.s32 $0xFFFFFC00  }
0x133: {  	[hbm4b:s28+s2] =	stream.linear.scatter [tilespmem:s8], [sflag:$0x2], $0x400, $0x38;
	[tilespmem:$0x13800] =	vst v63  }
0x134: {  	s20 =	sadd.s32 $0x1, s20;
	_ =	swait.ge [sflag:s16], $0x400  }
0x135: {  	p0 =	sne.s32 s20, $0x8;
	[sflag:s16] =	ssyncset.done $0x0  }
.Ltmp1:
0x136: {  	s21 =	sadd.s32 s21, s14;
	[sflag:s16] =	ssyncadd.s32 $0xFFFFFC00;
	(pc) =	sbr.rel @p0 .LBB2_2-.Ltmp1, $4  }
0x137: {  	[hbm4b:s21+s2] =	stream.linear.scatter [tilespmem:s15], [sflag:$0x2], $0x400, $0x38;
	[tilespmem:$0x13800] =	vst v63  }
0x138: {  	_ =	swait.ge [sflag:s16], $0x400  }
0x139: {  	[sflag:s16] =	ssyncset.done $0x0  }
0x13a: {  	[sflag:s16] =	ssyncadd.s32 $0xFFFFFC00  }
0x13b: {  	s21 =	rddreg [dreg:$0x9]  }
0x13c: {  	s20 =	rddreg [dreg:$0x8];
	s21 =	sadd.s32 $0x1, s21  }
0x13d: {  	p0 =	sne.s32 s21, s20  }
.Ltmp2:
0x13e: {  	_ = 	snop;
	(pc) =	sbr.rel @p0 .LBB2_1-.Ltmp2, $1  }
0x13f: {  	_ =	sdelay $0x3  }
0x140: {  	_ =	sfence.sel $0x180000  }
0x141: {  	[bflag:$0x0] =	sbarrier.arrive $0xFFFF  }
0x142: {  	_ =	strace $0x90000047  }
0x143: {  	s0 =	stileid.u32;
	[bflag:$0x2] =	sbarrier.arrive $0xFFFF  }
0x144: {  	p0 =	sne.s32 s0, $0x0;
	s0 =	rddreg [dreg:$0x4]  }
0x145: {  	s0 =	sadd.s32 @!p0 $0x100000, s0  }
0x146: {  	[sflag:s0] =	ssyncadd.tile.s32 @!p0 $0x1;
	_ =	shalt  }
.Lfunc_end2:
_tile_overlayer_lowered:
.L_overlay_start_2:
0x147: {  	(tag) =	ssettag $0x2  }
0x148: {  	s0 =	rddreg [dreg:$0x0];
	s2 =	stileid.u32  }
0x149: {  	s1 =	rddreg [dreg:$0x1];
	p0 =	sne.s32 s2, $0x0  }
0x14a: {  	s3 =	rddreg [dreg:$0x2];
	[bflag:$0x3] =	sbarrier.arrive $0xFFFF;
	s2 =	simm.s32 @!p0 $0x1C02  }
0x14b: {  	[timem:s3], [sflag:s2] =	dma.local @!p0 [hbm:s0], s1  }
0x14c: {  	s0 =	simm.s32 @!p0 $0x2  }
0x14d: {  	_ =	swait.ge @!p0 [sflag:s0], s1  }
0x14e: {  	s1 =	ssub.s32 @!p0 $0x0, s1;
	[sflag:s0] =	ssyncset.done @!p0 $0x0  }
0x14f: {  	[sflag:s0] =	ssyncadd.s32 @!p0 s1  }
0x150: {  	[bflag:$0x3] =	sbarrier.arrive $0xFFFF  }
0x151: {  	_ =	shalt  }

</sc_bundles>
